<compile_context>
chip_gen: v7x
topology: tpu7x:2x2x1
jax: 0.10.2.dev20260603
libtpu: 0.0.44.dev20260713+nightly
codegen_flags: <defaults>
</compile_context>

<pallas_src>
import functools

import jax
import jax.numpy as jnp
from jax import lax
from jax.experimental import pallas as pl
from jax.experimental.pallas import tpu as pltpu
from jax.experimental.pallas import tpu_sc as plsc

N_TOK = 36864
C = 8192
D = 64
N_BLK = 2048


LANES = 128
CHUNK = 1024


def _dist_argmin_body(x_ref, et_ref, idx_ref, esq_ref):
    @pl.when(pl.program_id(0) == 0)
    def _():
        et = et_ref[...]
        esq_ref[...] = jnp.sum(et * et, axis=0, keepdims=True)

    x = x_ref[...]
    x_sq = jnp.sum(x * x, axis=-1, keepdims=True)
    xx = x + x
    best_v = jnp.full((N_BLK, LANES), jnp.inf, jnp.float32)
    best_t = jnp.zeros((N_BLK, LANES), jnp.float32)
    for k in range(C // CHUNK):
        cs = slice(k * CHUNK, (k + 1) * CHUNK)
        twocross = jnp.dot(xx, et_ref[:, cs],
                           preferred_element_type=jnp.float32)
        d = (x_sq + esq_ref[:, cs]) - twocross
        for j in range(CHUNK // LANES):
            dv = d[:, j * LANES:(j + 1) * LANES]
            t = jnp.float32(k * (CHUNK // LANES) + j)
            upd = dv < best_v
            best_v = jnp.where(upd, dv, best_v)
            best_t = jnp.where(upd, t, best_t)
    lane = lax.broadcasted_iota(jnp.int32, (N_BLK, LANES), 1).astype(jnp.float32)
    cfull = best_t * jnp.float32(LANES) + lane
    m = jnp.min(best_v, axis=-1, keepdims=True)
    idxf = jnp.min(jnp.where(best_v <= m, cfull, jnp.float32(C)),
                   axis=-1, keepdims=True)
    idx_ref[...] = idxf.astype(jnp.int32)


def _dist_argmin(x2d, embed_t):
    grid = (N_TOK // N_BLK,)
    return pl.pallas_call(
        _dist_argmin_body,
        grid=grid,
        in_specs=[
            pl.BlockSpec((N_BLK, D), lambda i: (i, 0)),
            pl.BlockSpec((D, C), lambda i: (0, 0)),
        ],
        out_specs=pl.BlockSpec((N_BLK, 1), lambda i: (i, 0)),
        out_shape=jax.ShapeDtypeStruct((N_TOK, 1), jnp.int32),
        scratch_shapes=[pltpu.VMEM((1, C), jnp.float32)],
    )(x2d, embed_t)


@functools.cache
def _sc_gather_fn():
    info = plsc.get_sparse_core_info()
    nc = info.num_cores
    nw = nc * info.num_subcores
    b_per_w = N_TOK // nw

    @functools.partial(
        pl.kernel,
        out_type=jax.ShapeDtypeStruct((N_TOK, D), jnp.float32),
        mesh=plsc.VectorSubcoreMesh(core_axis_name="c", subcore_axis_name="s"),
        compiler_params=pltpu.CompilerParams(use_tc_tiling_on_sc=False),
        scratch_types=[
            pltpu.VMEM((b_per_w,), jnp.int32),
            pltpu.VMEM((b_per_w, D), jnp.float32),
            pltpu.SemaphoreType.DMA,
        ],
    )
    def _sc_gather(table_hbm, idx_hbm, out_hbm, idx_v, rows_v, sem):
        wid = lax.axis_index("s") * nc + lax.axis_index("c")
        base = wid * b_per_w
        pltpu.sync_copy(idx_hbm.at[pl.ds(base, b_per_w)], idx_v)
        pltpu.async_copy(table_hbm.at[idx_v], rows_v, sem).wait()
        pltpu.sync_copy(rows_v, out_hbm.at[pl.ds(base, b_per_w)])

    return _sc_gather


def kernel(x, embed):
    x2d = x[0].astype(jnp.float32)
    table = embed[0].astype(jnp.float32)
    idx = _dist_argmin(x2d, table.T)
    out = _sc_gather_fn()(table, idx.reshape(N_TOK))
    return out[None]

# --- scband reference (transcript-rebuilt; emitter-appended) ---
"""Pipeline reference for scband-euclidean-codebook-58145267253364 (READ-ONLY COPY).

The authoritative reference and input builder live on the scoring server;
editing this copy changes nothing except your own understanding.
"""

import jax, jax.numpy as jnp
import numpy as np


def compute_squared_distances(samples, means):
    samples_sq = jnp.sum(samples ** 2, axis=-1, keepdims=True)
    means_sq = jnp.sum(means ** 2, axis=-1, keepdims=True).swapaxes(-2, -1)
    cross_term = 2 * jnp.matmul(samples, means.swapaxes(-2, -1))
    return samples_sq + means_sq - cross_term


def setup_inputs(seed: int = 0) -> dict:
    key = jax.random.key(seed)
    k1, k2 = jax.random.split(key)
    # x: [num_codebooks, n_tokens, dim]
    x = jax.random.normal(k1, (1, 36864, 64), dtype=jnp.float32)
    # learnable codebook embed: [num_codebooks, codebook_size, dim] (kaiming-uniform-like init)
    bound = float(np.sqrt(6.0 / 8192.0))
    embed = jax.random.uniform(k2, (1, 8192, 64), dtype=jnp.float32, minval=-bound, maxval=bound)
    return {"x": x, "embed": embed}


def reference(x, embed):
    # EuclideanCodebook.forward: squared-euclidean distance to codes,
    # deterministic hard assignment with straight-through estimator,
    # quantize via one-hot @ codebook.
    x = x.astype(jnp.float32)
    dist = compute_squared_distances(x, embed)          # [h, n, c]
    logits = -dist
    embed_ind = jnp.argmax(logits, axis=-1)             # [h, n]
    hard_one_hot = jax.nn.one_hot(embed_ind, logits.shape[-1], dtype=logits.dtype)
    # straight-through: hard - logits.detach() + logits
    one_hot = hard_one_hot - jax.lax.stop_gradient(logits) + logits
    quantize = jnp.matmul(one_hot, embed)               # [h, n, d]
    return quantize

if __name__ == "__main__":
    import jax
    _d = setup_inputs()
    print(jax.jit(kernel)(*tuple(_d.values())))

</pallas_src>

<mosaic_0001>
#map = affine_map<(d0, d1) -> (0, 0)>
#map1 = affine_map<(d0, d1) -> (0)>
module attributes {stable_mosaic.version = 14 : i64} {
  func.func @_sc_gather(%arg0: i32, %arg1: i32, %arg2: memref<8192x64xf32, #tpu.memory_space<hbm>>, %arg3: memref<36864xi32, #tpu.memory_space<hbm>>, %arg4: memref<36864x64xf32, #tpu.memory_space<hbm>>, %arg5: memref<1152xi32, #tpu.memory_space<vmem>>, %arg6: memref<1152x64xf32, #tpu.memory_space<vmem>>, %arg7: memref<!tpu.dma_semaphore, #tpu.memory_space<semaphore_mem>>) attributes {dimension_semantics = [#tpu.dimension_semantics<core_parallel>, #tpu.dimension_semantics<subcore_parallel>], iteration_bounds = array<i64: 2, 16>, scalar_prefetch = 0 : i64, scratch_operands = 3 : i64, tpu.core_type = #tpu.core_type<sc_vector_subcore>, window_params = [{transform_indices = #map}, {transform_indices = #map1}, {transform_indices = #map}]} {
    %mul3A = arith.constant 2 : i32
    %mul3A_0 = arith.muli %arg1, %mul3A : i32
    %add3A = arith.addi %mul3A_0, %arg0 : i32
    %mul3A_1 = arith.constant 1152 : i32
    %mul3A_2 = arith.muli %add3A, %mul3A_1 : i32
    "tpu.region"() ({
      %run_scoped3A = tpu.sem_alloc : memref<!tpu.dma_semaphore, #tpu.memory_space<semaphore_mem>>
      %dma_start3A_7 = tpu.memref_slice %arg3[%mul3A_2] : memref<36864xi32, #tpu.memory_space<hbm>> -> memref<1152xi32, #tpu.memory_space<hbm>>
      %dma_start3A_8 = tpu.memref_slice %arg3[%mul3A_2] : memref<36864xi32, #tpu.memory_space<hbm>> -> memref<1152xi32, #tpu.memory_space<hbm>>
      tpu.enqueue_dma source(%dma_start3A_8 : memref<1152xi32, #tpu.memory_space<hbm>>) target(%arg5 : memref<1152xi32, #tpu.memory_space<vmem>>) target_semaphore(%run_scoped3A : memref<!tpu.dma_semaphore, #tpu.memory_space<semaphore_mem>>)
      %dma_wait3A_9 = tpu.memref_slice %arg3[%mul3A_2] : memref<36864xi32, #tpu.memory_space<hbm>> -> memref<1152xi32, #tpu.memory_space<hbm>>
      %dma_wait3A_10 = tpu.memref_slice %arg3[%mul3A_2] : memref<36864xi32, #tpu.memory_space<hbm>> -> memref<1152xi32, #tpu.memory_space<hbm>>
      tpu.wait_dma2 semaphore(%run_scoped3A : memref<!tpu.dma_semaphore, #tpu.memory_space<semaphore_mem>>) src(%dma_wait3A_10 : memref<1152xi32, #tpu.memory_space<hbm>>) dst(%arg5 : memref<1152xi32, #tpu.memory_space<vmem>>)
      tpu.yield
    }) : () -> ()
    %dma_start3A = arith.constant 0 : i32
    %dma_start3A_3 = arith.constant 0 : i32
    %dma_start3A_4 = tpu.memref_slice %arg2[%dma_start3A, %dma_start3A_3] : memref<8192x64xf32, #tpu.memory_space<hbm>> -> memref<8192x64xf32, #tpu.memory_space<hbm>>
    tpu.enqueue_indirect_dma source(%dma_start3A_4 : memref<8192x64xf32, #tpu.memory_space<hbm>>) target(%arg6 : memref<1152x64xf32, #tpu.memory_space<vmem>>) offsets(%arg5 : memref<1152xi32, #tpu.memory_space<vmem>>) semaphore(%arg7 : memref<!tpu.dma_semaphore, #tpu.memory_space<semaphore_mem>>)
    %dma_wait3A = arith.constant 0 : i32
    %dma_wait3A_5 = arith.constant 0 : i32
    %dma_wait3A_6 = tpu.memref_slice %arg2[%dma_wait3A, %dma_wait3A_5] : memref<8192x64xf32, #tpu.memory_space<hbm>> -> memref<8192x64xf32, #tpu.memory_space<hbm>>
    tpu.wait_indirect_dma semaphore(%arg7 : memref<!tpu.dma_semaphore, #tpu.memory_space<semaphore_mem>>) src(%dma_wait3A_6 : memref<8192x64xf32, #tpu.memory_space<hbm>>) dst(%arg6 : memref<1152x64xf32, #tpu.memory_space<vmem>>)
    "tpu.region"() ({
      %run_scoped3A = tpu.sem_alloc : memref<!tpu.dma_semaphore, #tpu.memory_space<semaphore_mem>>
      %dma_start3A_7 = arith.constant 0 : i32
      %dma_start3A_8 = tpu.memref_slice %arg4[%mul3A_2, %dma_start3A_7] : memref<36864x64xf32, #tpu.memory_space<hbm>> -> memref<1152x64xf32, #tpu.memory_space<hbm>>
      %dma_start3A_9 = arith.constant 0 : i32
      %dma_start3A_10 = tpu.memref_slice %arg4[%mul3A_2, %dma_start3A_9] : memref<36864x64xf32, #tpu.memory_space<hbm>> -> memref<1152x64xf32, #tpu.memory_space<hbm>>
      tpu.enqueue_dma source(%arg6 : memref<1152x64xf32, #tpu.memory_space<vmem>>) target(%dma_start3A_10 : memref<1152x64xf32, #tpu.memory_space<hbm>>) target_semaphore(%run_scoped3A : memref<!tpu.dma_semaphore, #tpu.memory_space<semaphore_mem>>)
      %dma_wait3A_11 = arith.constant 0 : i32
      %dma_wait3A_12 = tpu.memref_slice %arg4[%mul3A_2, %dma_wait3A_11] : memref<36864x64xf32, #tpu.memory_space<hbm>> -> memref<1152x64xf32, #tpu.memory_space<hbm>>
      %dma_wait3A_13 = arith.constant 0 : i32
      %dma_wait3A_14 = tpu.memref_slice %arg4[%mul3A_2, %dma_wait3A_13] : memref<36864x64xf32, #tpu.memory_space<hbm>> -> memref<1152x64xf32, #tpu.memory_space<hbm>>
      tpu.wait_dma2 semaphore(%run_scoped3A : memref<!tpu.dma_semaphore, #tpu.memory_space<semaphore_mem>>) src(%arg6 : memref<1152x64xf32, #tpu.memory_space<vmem>>) dst(%dma_wait3A_14 : memref<1152x64xf32, #tpu.memory_space<hbm>>)
      tpu.yield
    }) : () -> ()
    return
  }
}

module attributes {stable_mosaic.version = 14 : i64} {
  func.func @_dist_argmin_body(%arg0: i32, %arg1: memref<2048x64xf32, #tpu.memory_space<vmem>>, %arg2: memref<64x8192xf32, #tpu.memory_space<vmem>>, %arg3: memref<2048x1xi32, #tpu.memory_space<vmem>>, %arg4: memref<1x8192xf32, #tpu.memory_space<vmem>>) attributes {dimension_semantics = [#tpu.dimension_semantics<arbitrary>], iteration_bounds = array<i64: 18>, scalar_prefetch = 0 : i64, scratch_operands = 1 : i64, tpu.core_type = #tpu.core_type<tc>, window_params = [{transform_indices = @transform_0, window_bounds = array<i64: 2048, 64>}, {pipeline_mode = #tpu.pipeline_mode<synchronous>, transform_indices = @transform_1, window_bounds = array<i64: 64, 8192>}, {transform_indices = @transform_2, window_bounds = array<i64: 2048, 1>}]} {
    %eq3A = arith.constant 0 : i32
    %eq3A_0 = arith.cmpi eq, %arg0, %eq3A : i32
    %convert_element_type3A = arith.extui %eq3A_0 : i1 to i32
    %cond3A = arith.constant 0 : i32
    %cond3A_1 = arith.cmpi ne, %convert_element_type3A, %cond3A : i32
    scf.if %cond3A_1 {
      %get3A_500 = arith.constant 0 : index
      %get3A_501 = arith.constant 0 : index
      %get3A_502 = vector.load %arg2[%get3A_500, %get3A_501] : memref<64x8192xf32, #tpu.memory_space<vmem>>, vector<64x8192xf32>
      %mul3A_503 = arith.mulf %get3A_502, %get3A_502 : vector<64x8192xf32>
      %reduce_sum3A_504 = arith.constant dense<0.000000e+00> : vector<8192xf32>
      %reduce_sum3A_505 = vector.multi_reduction <add>, %mul3A_503, %reduce_sum3A_504 [0] : vector<64x8192xf32> to vector<8192xf32>
      %broadcast_in_dim3A_506 = vector.shape_cast %reduce_sum3A_505 : vector<8192xf32> to vector<1x8192xf32>
      %swap3A_507 = arith.constant 0 : index
      %swap3A_508 = arith.constant 0 : index
      %swap3A_509 = vector.load %arg4[%swap3A_507, %swap3A_508] : memref<1x8192xf32, #tpu.memory_space<vmem>>, vector<1x8192xf32>
      tpu.vector_store %arg4[%swap3A_507, %swap3A_508], %broadcast_in_dim3A_506 {strides = array<i32>} : memref<1x8192xf32, #tpu.memory_space<vmem>>, vector<1x8192xf32>,
    } else {
    }
    %get3A = arith.constant 0 : index
    %get3A_2 = arith.constant 0 : index
    %get3A_3 = vector.load %arg1[%get3A, %get3A_2] : memref<2048x64xf32, #tpu.memory_space<vmem>>, vector<2048x64xf32>
    %mul3A = arith.mulf %get3A_3, %get3A_3 : vector<2048x64xf32>
    %reduce_sum3A = arith.constant dense<0.000000e+00> : vector<2048xf32>
    %reduce_sum3A_4 = vector.multi_reduction <add>, %mul3A, %reduce_sum3A [1] : vector<2048x64xf32> to vector<2048xf32>
    %broadcast_in_dim3A = vector.shape_cast %reduce_sum3A_4 : vector<2048xf32> to vector<2048x1xf32>
    %add3A = arith.addf %get3A_3, %get3A_3 : vector<2048x64xf32>
    %broadcast_in_dim3A_5 = arith.constant 0x7F800000 : f32
    %broadcast_in_dim3A_6 = vector.broadcast %broadcast_in_dim3A_5 : f32 to vector<2048x128xf32>
    %broadcast_in_dim3A_7 = arith.constant 0.000000e+00 : f32
    %broadcast_in_dim3A_8 = vector.broadcast %broadcast_in_dim3A_7 : f32 to vector<2048x128xf32>
    %get3A_9 = arith.constant 0 : index
    %get3A_10 = arith.constant 0 : index
    %get3A_11 = vector.load %arg2[%get3A_9, %get3A_10] : memref<64x8192xf32, #tpu.memory_space<vmem>>, vector<64x1024xf32>
    %dot_general3A = arith.constant dense<0.000000e+00> : vector<2048x1024xf32>
    %dot_general3A_12 = tpu.matmul %add3A, %get3A_11, %dot_general3A {dimension_numbers = #tpu.dot_dimension_numbers<[1], [0], [0], [1], [0, 0, 1, 1], [], []>, transpose_lhs_hint = false} : vector<2048x64xf32>, vector<64x1024xf32>, vector<2048x1024xf32> -> vector<2048x1024xf32>
    %get3A_13 = arith.constant 0 : index
    %get3A_14 = arith.constant 0 : index
    %get3A_15 = vector.load %arg4[%get3A_13, %get3A_14] : memref<1x8192xf32, #tpu.memory_space<vmem>>, vector<1x1024xf32>
    %add3A_16 = vector.broadcast %broadcast_in_dim3A : vector<2048x1xf32> to vector<2048x1024xf32>
    %add3A_17 = vector.broadcast %get3A_15 : vector<1x1024xf32> to vector<2048x1024xf32>
    %add3A_18 = arith.addf %add3A_16, %add3A_17 : vector<2048x1024xf32>
    %sub3A = arith.subf %add3A_18, %dot_general3A_12 : vector<2048x1024xf32>
    %slice3A = vector.extract_strided_slice %sub3A {offsets = [0, 0], sizes = [2048, 128], strides = [1, 1]} : vector<2048x1024xf32> to vector<2048x128xf32>
    %lt3A = arith.cmpf olt, %slice3A, %broadcast_in_dim3A_6 : vector<2048x128xf32>
    %select_n3A = arith.select %lt3A, %slice3A, %broadcast_in_dim3A_6 : vector<2048x128xi1>, vector<2048x128xf32>
    %jit3A = arith.constant 0.000000e+00 : f32
    %broadcast_in_dim3A_19 = vector.broadcast %jit3A : f32 to vector<2048x128xf32>
    %select_n3A_20 = arith.select %lt3A, %broadcast_in_dim3A_19, %broadcast_in_dim3A_8 : vector<2048x128xi1>, vector<2048x128xf32>
    %slice3A_21 = vector.extract_strided_slice %sub3A {offsets = [0, 128], sizes = [2048, 128], strides = [1, 1]} : vector<2048x1024xf32> to vector<2048x128xf32>
    %lt3A_22 = arith.cmpf olt, %slice3A_21, %select_n3A : vector<2048x128xf32>
    %select_n3A_23 = arith.select %lt3A_22, %slice3A_21, %select_n3A : vector<2048x128xi1>, vector<2048x128xf32>
    %jit3A_24 = arith.constant 1.000000e+00 : f32
    %broadcast_in_dim3A_25 = vector.broadcast %jit3A_24 : f32 to vector<2048x128xf32>
    %select_n3A_26 = arith.select %lt3A_22, %broadcast_in_dim3A_25, %select_n3A_20 : vector<2048x128xi1>, vector<2048x128xf32>
    %slice3A_27 = vector.extract_strided_slice %sub3A {offsets = [0, 256], sizes = [2048, 128], strides = [1, 1]} : vector<2048x1024xf32> to vector<2048x128xf32>
    %lt3A_28 = arith.cmpf olt, %slice3A_27, %select_n3A_23 : vector<2048x128xf32>
    %select_n3A_29 = arith.select %lt3A_28, %slice3A_27, %select_n3A_23 : vector<2048x128xi1>, vector<2048x128xf32>
    %jit3A_30 = arith.constant 2.000000e+00 : f32
    %broadcast_in_dim3A_31 = vector.broadcast %jit3A_30 : f32 to vector<2048x128xf32>
    %select_n3A_32 = arith.select %lt3A_28, %broadcast_in_dim3A_31, %select_n3A_26 : vector<2048x128xi1>, vector<2048x128xf32>
    %slice3A_33 = vector.extract_strided_slice %sub3A {offsets = [0, 384], sizes = [2048, 128], strides = [1, 1]} : vector<2048x1024xf32> to vector<2048x128xf32>
    %lt3A_34 = arith.cmpf olt, %slice3A_33, %select_n3A_29 : vector<2048x128xf32>
    %select_n3A_35 = arith.select %lt3A_34, %slice3A_33, %select_n3A_29 : vector<2048x128xi1>, vector<2048x128xf32>
    %jit3A_36 = arith.constant 3.000000e+00 : f32
    %broadcast_in_dim3A_37 = vector.broadcast %jit3A_36 : f32 to vector<2048x128xf32>
    %select_n3A_38 = arith.select %lt3A_34, %broadcast_in_dim3A_37, %select_n3A_32 : vector<2048x128xi1>, vector<2048x128xf32>
    %slice3A_39 = vector.extract_strided_slice %sub3A {offsets = [0, 512], sizes = [2048, 128], strides = [1, 1]} : vector<2048x1024xf32> to vector<2048x128xf32>
    %lt3A_40 = arith.cmpf olt, %slice3A_39, %select_n3A_35 : vector<2048x128xf32>
    %select_n3A_41 = arith.select %lt3A_40, %slice3A_39, %select_n3A_35 : vector<2048x128xi1>, vector<2048x128xf32>
    %jit3A_42 = arith.constant 4.000000e+00 : f32
    %broadcast_in_dim3A_43 = vector.broadcast %jit3A_42 : f32 to vector<2048x128xf32>
    %select_n3A_44 = arith.select %lt3A_40, %broadcast_in_dim3A_43, %select_n3A_38 : vector<2048x128xi1>, vector<2048x128xf32>
    %slice3A_45 = vector.extract_strided_slice %sub3A {offsets = [0, 640], sizes = [2048, 128], strides = [1, 1]} : vector<2048x1024xf32> to vector<2048x128xf32>
    %lt3A_46 = arith.cmpf olt, %slice3A_45, %select_n3A_41 : vector<2048x128xf32>
    %select_n3A_47 = arith.select %lt3A_46, %slice3A_45, %select_n3A_41 : vector<2048x128xi1>, vector<2048x128xf32>
    %jit3A_48 = arith.constant 5.000000e+00 : f32
    %broadcast_in_dim3A_49 = vector.broadcast %jit3A_48 : f32 to vector<2048x128xf32>
    %select_n3A_50 = arith.select %lt3A_46, %broadcast_in_dim3A_49, %select_n3A_44 : vector<2048x128xi1>, vector<2048x128xf32>
    %slice3A_51 = vector.extract_strided_slice %sub3A {offsets = [0, 768], sizes = [2048, 128], strides = [1, 1]} : vector<2048x1024xf32> to vector<2048x128xf32>
    %lt3A_52 = arith.cmpf olt, %slice3A_51, %select_n3A_47 : vector<2048x128xf32>
    %select_n3A_53 = arith.select %lt3A_52, %slice3A_51, %select_n3A_47 : vector<2048x128xi1>, vector<2048x128xf32>
    %jit3A_54 = arith.constant 6.000000e+00 : f32
    %broadcast_in_dim3A_55 = vector.broadcast %jit3A_54 : f32 to vector<2048x128xf32>
    %select_n3A_56 = arith.select %lt3A_52, %broadcast_in_dim3A_55, %select_n3A_50 : vector<2048x128xi1>, vector<2048x128xf32>
    %slice3A_57 = vector.extract_strided_slice %sub3A {offsets = [0, 896], sizes = [2048, 128], strides = [1, 1]} : vector<2048x1024xf32> to vector<2048x128xf32>
    %lt3A_58 = arith.cmpf olt, %slice3A_57, %select_n3A_53 : vector<2048x128xf32>
    %select_n3A_59 = arith.select %lt3A_58, %slice3A_57, %select_n3A_53 : vector<2048x128xi1>, vector<2048x128xf32>
    %jit3A_60 = arith.constant 7.000000e+00 : f32
    %broadcast_in_dim3A_61 = vector.broadcast %jit3A_60 : f32 to vector<2048x128xf32>
    %select_n3A_62 = arith.select %lt3A_58, %broadcast_in_dim3A_61, %select_n3A_56 : vector<2048x128xi1>, vector<2048x128xf32>
    %get3A_63 = arith.constant 0 : index
    %get3A_64 = arith.constant 1024 : index
    %get3A_65 = vector.load %arg2[%get3A_63, %get3A_64] : memref<64x8192xf32, #tpu.memory_space<vmem>>, vector<64x1024xf32>
    %dot_general3A_66 = arith.constant dense<0.000000e+00> : vector<2048x1024xf32>
    %dot_general3A_67 = tpu.matmul %add3A, %get3A_65, %dot_general3A_66 {dimension_numbers = #tpu.dot_dimension_numbers<[1], [0], [0], [1], [0, 0, 1, 1], [], []>, transpose_lhs_hint = false} : vector<2048x64xf32>, vector<64x1024xf32>, vector<2048x1024xf32> -> vector<2048x1024xf32>
    %get3A_68 = arith.constant 0 : index
    %get3A_69 = arith.constant 1024 : index
    %get3A_70 = vector.load %arg4[%get3A_68, %get3A_69] : memref<1x8192xf32, #tpu.memory_space<vmem>>, vector<1x1024xf32>
    %add3A_71 = vector.broadcast %broadcast_in_dim3A : vector<2048x1xf32> to vector<2048x1024xf32>
    %add3A_72 = vector.broadcast %get3A_70 : vector<1x1024xf32> to vector<2048x1024xf32>
    %add3A_73 = arith.addf %add3A_71, %add3A_72 : vector<2048x1024xf32>
    %sub3A_74 = arith.subf %add3A_73, %dot_general3A_67 : vector<2048x1024xf32>
    %slice3A_75 = vector.extract_strided_slice %sub3A_74 {offsets = [0, 0], sizes = [2048, 128], strides = [1, 1]} : vector<2048x1024xf32> to vector<2048x128xf32>
    %lt3A_76 = arith.cmpf olt, %slice3A_75, %select_n3A_59 : vector<2048x128xf32>
    %select_n3A_77 = arith.select %lt3A_76, %slice3A_75, %select_n3A_59 : vector<2048x128xi1>, vector<2048x128xf32>
    %jit3A_78 = arith.constant 8.000000e+00 : f32
    %broadcast_in_dim3A_79 = vector.broadcast %jit3A_78 : f32 to vector<2048x128xf32>
    %select_n3A_80 = arith.select %lt3A_76, %broadcast_in_dim3A_79, %select_n3A_62 : vector<2048x128xi1>, vector<2048x128xf32>
    %slice3A_81 = vector.extract_strided_slice %sub3A_74 {offsets = [0, 128], sizes = [2048, 128], strides = [1, 1]} : vector<2048x1024xf32> to vector<2048x128xf32>
    %lt3A_82 = arith.cmpf olt, %slice3A_81, %select_n3A_77 : vector<2048x128xf32>
    %select_n3A_83 = arith.select %lt3A_82, %slice3A_81, %select_n3A_77 : vector<2048x128xi1>, vector<2048x128xf32>
    %jit3A_84 = arith.constant 9.000000e+00 : f32
    %broadcast_in_dim3A_85 = vector.broadcast %jit3A_84 : f32 to vector<2048x128xf32>
    %select_n3A_86 = arith.select %lt3A_82, %broadcast_in_dim3A_85, %select_n3A_80 : vector<2048x128xi1>, vector<2048x128xf32>
    %slice3A_87 = vector.extract_strided_slice %sub3A_74 {offsets = [0, 256], sizes = [2048, 128], strides = [1, 1]} : vector<2048x1024xf32> to vector<2048x128xf32>
    %lt3A_88 = arith.cmpf olt, %slice3A_87, %select_n3A_83 : vector<2048x128xf32>
    %select_n3A_89 = arith.select %lt3A_88, %slice3A_87, %select_n3A_83 : vector<2048x128xi1>, vector<2048x128xf32>
    %jit3A_90 = arith.constant 1.000000e+01 : f32
    %broadcast_in_dim3A_91 = vector.broadcast %jit3A_90 : f32 to vector<2048x128xf32>
    %select_n3A_92 = arith.select %lt3A_88, %broadcast_in_dim3A_91, %select_n3A_86 : vector<2048x128xi1>, vector<2048x128xf32>
    %slice3A_93 = vector.extract_strided_slice %sub3A_74 {offsets = [0, 384], sizes = [2048, 128], strides = [1, 1]} : vector<2048x1024xf32> to vector<2048x128xf32>
    %lt3A_94 = arith.cmpf olt, %slice3A_93, %select_n3A_89 : vector<2048x128xf32>
    %select_n3A_95 = arith.select %lt3A_94, %slice3A_93, %select_n3A_89 : vector<2048x128xi1>, vector<2048x128xf32>
    %jit3A_96 = arith.constant 1.100000e+01 : f32
    %broadcast_in_dim3A_97 = vector.broadcast %jit3A_96 : f32 to vector<2048x128xf32>
    %select_n3A_98 = arith.select %lt3A_94, %broadcast_in_dim3A_97, %select_n3A_92 : vector<2048x128xi1>, vector<2048x128xf32>
    %slice3A_99 = vector.extract_strided_slice %sub3A_74 {offsets = [0, 512], sizes = [2048, 128], strides = [1, 1]} : vector<2048x1024xf32> to vector<2048x128xf32>
    %lt3A_100 = arith.cmpf olt, %slice3A_99, %select_n3A_95 : vector<2048x128xf32>
    %select_n3A_101 = arith.select %lt3A_100, %slice3A_99, %select_n3A_95 : vector<2048x128xi1>, vector<2048x128xf32>
    %jit3A_102 = arith.constant 1.200000e+01 : f32
    %broadcast_in_dim3A_103 = vector.broadcast %jit3A_102 : f32 to vector<2048x128xf32>
    %select_n3A_104 = arith.select %lt3A_100, %broadcast_in_dim3A_103, %select_n3A_98 : vector<2048x128xi1>, vector<2048x128xf32>
    %slice3A_105 = vector.extract_strided_slice %sub3A_74 {offsets = [0, 640], sizes = [2048, 128], strides = [1, 1]} : vector<2048x1024xf32> to vector<2048x128xf32>
    %lt3A_106 = arith.cmpf olt, %slice3A_105, %select_n3A_101 : vector<2048x128xf32>
    %select_n3A_107 = arith.select %lt3A_106, %slice3A_105, %select_n3A_101 : vector<2048x128xi1>, vector<2048x128xf32>
    %jit3A_108 = arith.constant 1.300000e+01 : f32
    %broadcast_in_dim3A_109 = vector.broadcast %jit3A_108 : f32 to vector<2048x128xf32>
    %select_n3A_110 = arith.select %lt3A_106, %broadcast_in_dim3A_109, %select_n3A_104 : vector<2048x128xi1>, vector<2048x128xf32>
    %slice3A_111 = vector.extract_strided_slice %sub3A_74 {offsets = [0, 768], sizes = [2048, 128], strides = [1, 1]} : vector<2048x1024xf32> to vector<2048x128xf32>
    %lt3A_112 = arith.cmpf olt, %slice3A_111, %select_n3A_107 : vector<2048x128xf32>
    %select_n3A_113 = arith.select %lt3A_112, %slice3A_111, %select_n3A_107 : vector<2048x128xi1>, vector<2048x128xf32>
    %jit3A_114 = arith.constant 1.400000e+01 : f32
    %broadcast_in_dim3A_115 = vector.broadcast %jit3A_114 : f32 to vector<2048x128xf32>
    %select_n3A_116 = arith.select %lt3A_112, %broadcast_in_dim3A_115, %select_n3A_110 : vector<2048x128xi1>, vector<2048x128xf32>
    %slice3A_117 = vector.extract_strided_slice %sub3A_74 {offsets = [0, 896], sizes = [2048, 128], strides = [1, 1]} : vector<2048x1024xf32> to vector<2048x128xf32>
    %lt3A_118 = arith.cmpf olt, %slice3A_117, %select_n3A_113 : vector<2048x128xf32>
    %select_n3A_119 = arith.select %lt3A_118, %slice3A_117, %select_n3A_113 : vector<2048x128xi1>, vector<2048x128xf32>
    %jit3A_120 = arith.constant 1.500000e+01 : f32
    %broadcast_in_dim3A_121 = vector.broadcast %jit3A_120 : f32 to vector<2048x128xf32>
    %select_n3A_122 = arith.select %lt3A_118, %broadcast_in_dim3A_121, %select_n3A_116 : vector<2048x128xi1>, vector<2048x128xf32>
    %get3A_123 = arith.constant 0 : index
    %get3A_124 = arith.constant 2048 : index
    %get3A_125 = vector.load %arg2[%get3A_123, %get3A_124] : memref<64x8192xf32, #tpu.memory_space<vmem>>, vector<64x1024xf32>
    %dot_general3A_126 = arith.constant dense<0.000000e+00> : vector<2048x1024xf32>
    %dot_general3A_127 = tpu.matmul %add3A, %get3A_125, %dot_general3A_126 {dimension_numbers = #tpu.dot_dimension_numbers<[1], [0], [0], [1], [0, 0, 1, 1], [], []>, transpose_lhs_hint = false} : vector<2048x64xf32>, vector<64x1024xf32>, vector<2048x1024xf32> -> vector<2048x1024xf32>
    %get3A_128 = arith.constant 0 : index
    %get3A_129 = arith.constant 2048 : index
    %get3A_130 = vector.load %arg4[%get3A_128, %get3A_129] : memref<1x8192xf32, #tpu.memory_space<vmem>>, vector<1x1024xf32>
    %add3A_131 = vector.broadcast %broadcast_in_dim3A : vector<2048x1xf32> to vector<2048x1024xf32>
    %add3A_132 = vector.broadcast %get3A_130 : vector<1x1024xf32> to vector<2048x1024xf32>
    %add3A_133 = arith.addf %add3A_131, %add3A_132 : vector<2048x1024xf32>
    %sub3A_134 = arith.subf %add3A_133, %dot_general3A_127 : vector<2048x1024xf32>
    %slice3A_135 = vector.extract_strided_slice %sub3A_134 {offsets = [0, 0], sizes = [2048, 128], strides = [1, 1]} : vector<2048x1024xf32> to vector<2048x128xf32>
    %lt3A_136 = arith.cmpf olt, %slice3A_135, %select_n3A_119 : vector<2048x128xf32>
    %select_n3A_137 = arith.select %lt3A_136, %slice3A_135, %select_n3A_119 : vector<2048x128xi1>, vector<2048x128xf32>
    %jit3A_138 = arith.constant 1.600000e+01 : f32
    %broadcast_in_dim3A_139 = vector.broadcast %jit3A_138 : f32 to vector<2048x128xf32>
    %select_n3A_140 = arith.select %lt3A_136, %broadcast_in_dim3A_139, %select_n3A_122 : vector<2048x128xi1>, vector<2048x128xf32>
    %slice3A_141 = vector.extract_strided_slice %sub3A_134 {offsets = [0, 128], sizes = [2048, 128], strides = [1, 1]} : vector<2048x1024xf32> to vector<2048x128xf32>
    %lt3A_142 = arith.cmpf olt, %slice3A_141, %select_n3A_137 : vector<2048x128xf32>
    %select_n3A_143 = arith.select %lt3A_142, %slice3A_141, %select_n3A_137 : vector<2048x128xi1>, vector<2048x128xf32>
    %jit3A_144 = arith.constant 1.700000e+01 : f32
    %broadcast_in_dim3A_145 = vector.broadcast %jit3A_144 : f32 to vector<2048x128xf32>
    %select_n3A_146 = arith.select %lt3A_142, %broadcast_in_dim3A_145, %select_n3A_140 : vector<2048x128xi1>, vector<2048x128xf32>
    %slice3A_147 = vector.extract_strided_slice %sub3A_134 {offsets = [0, 256], sizes = [2048, 128], strides = [1, 1]} : vector<2048x1024xf32> to vector<2048x128xf32>
    %lt3A_148 = arith.cmpf olt, %slice3A_147, %select_n3A_143 : vector<2048x128xf32>
    %select_n3A_149 = arith.select %lt3A_148, %slice3A_147, %select_n3A_143 : vector<2048x128xi1>, vector<2048x128xf32>
    %jit3A_150 = arith.constant 1.800000e+01 : f32
    %broadcast_in_dim3A_151 = vector.broadcast %jit3A_150 : f32 to vector<2048x128xf32>
    %select_n3A_152 = arith.select %lt3A_148, %broadcast_in_dim3A_151, %select_n3A_146 : vector<2048x128xi1>, vector<2048x128xf32>
    %slice3A_153 = vector.extract_strided_slice %sub3A_134 {offsets = [0, 384], sizes = [2048, 128], strides = [1, 1]} : vector<2048x1024xf32> to vector<2048x128xf32>
    %lt3A_154 = arith.cmpf olt, %slice3A_153, %select_n3A_149 : vector<2048x128xf32>
    %select_n3A_155 = arith.select %lt3A_154, %slice3A_153, %select_n3A_149 : vector<2048x128xi1>, vector<2048x128xf32>
    %jit3A_156 = arith.constant 1.900000e+01 : f32
    %broadcast_in_dim3A_157 = vector.broadcast %jit3A_156 : f32 to vector<2048x128xf32>
    %select_n3A_158 = arith.select %lt3A_154, %broadcast_in_dim3A_157, %select_n3A_152 : vector<2048x128xi1>, vector<2048x128xf32>
    %slice3A_159 = vector.extract_strided_slice %sub3A_134 {offsets = [0, 512], sizes = [2048, 128], strides = [1, 1]} : vector<2048x1024xf32> to vector<2048x128xf32>
    %lt3A_160 = arith.cmpf olt, %slice3A_159, %select_n3A_155 : vector<2048x128xf32>
    %select_n3A_161 = arith.select %lt3A_160, %slice3A_159, %select_n3A_155 : vector<2048x128xi1>, vector<2048x128xf32>
    %jit3A_162 = arith.constant 2.000000e+01 : f32
    %broadcast_in_dim3A_163 = vector.broadcast %jit3A_162 : f32 to vector<2048x128xf32>
    %select_n3A_164 = arith.select %lt3A_160, %broadcast_in_dim3A_163, %select_n3A_158 : vector<2048x128xi1>, vector<2048x128xf32>
    %slice3A_165 = vector.extract_strided_slice %sub3A_134 {offsets = [0, 640], sizes = [2048, 128], strides = [1, 1]} : vector<2048x1024xf32> to vector<2048x128xf32>
    %lt3A_166 = arith.cmpf olt, %slice3A_165, %select_n3A_161 : vector<2048x128xf32>
    %select_n3A_167 = arith.select %lt3A_166, %slice3A_165, %select_n3A_161 : vector<2048x128xi1>, vector<2048x128xf32>
    %jit3A_168 = arith.constant 2.100000e+01 : f32
    %broadcast_in_dim3A_169 = vector.broadcast %jit3A_168 : f32 to vector<2048x128xf32>
    %select_n3A_170 = arith.select %lt3A_166, %broadcast_in_dim3A_169, %select_n3A_164 : vector<2048x128xi1>, vector<2048x128xf32>
    %slice3A_171 = vector.extract_strided_slice %sub3A_134 {offsets = [0, 768], sizes = [2048, 128], strides = [1, 1]} : vector<2048x1024xf32> to vector<2048x128xf32>
    %lt3A_172 = arith.cmpf olt, %slice3A_171, %select_n3A_167 : vector<2048x128xf32>
    %select_n3A_173 = arith.select %lt3A_172, %slice3A_171, %select_n3A_167 : vector<2048x128xi1>, vector<2048x128xf32>
    %jit3A_174 = arith.constant 2.200000e+01 : f32
    %broadcast_in_dim3A_175 = vector.broadcast %jit3A_174 : f32 to vector<2048x128xf32>
    %select_n3A_176 = arith.select %lt3A_172, %broadcast_in_dim3A_175, %select_n3A_170 : vector<2048x128xi1>, vector<2048x128xf32>
    %slice3A_177 = vector.extract_strided_slice %sub3A_134 {offsets = [0, 896], sizes = [2048, 128], strides = [1, 1]} : vector<2048x1024xf32> to vector<2048x128xf32>
    %lt3A_178 = arith.cmpf olt, %slice3A_177, %select_n3A_173 : vector<2048x128xf32>
    %select_n3A_179 = arith.select %lt3A_178, %slice3A_177, %select_n3A_173 : vector<2048x128xi1>, vector<2048x128xf32>
    %jit3A_180 = arith.constant 2.300000e+01 : f32
    %broadcast_in_dim3A_181 = vector.broadcast %jit3A_180 : f32 to vector<2048x128xf32>
    %select_n3A_182 = arith.select %lt3A_178, %broadcast_in_dim3A_181, %select_n3A_176 : vector<2048x128xi1>, vector<2048x128xf32>
    %get3A_183 = arith.constant 0 : index
    %get3A_184 = arith.constant 3072 : index
    %get3A_185 = vector.load %arg2[%get3A_183, %get3A_184] : memref<64x8192xf32, #tpu.memory_space<vmem>>, vector<64x1024xf32>
    %dot_general3A_186 = arith.constant dense<0.000000e+00> : vector<2048x1024xf32>
    %dot_general3A_187 = tpu.matmul %add3A, %get3A_185, %dot_general3A_186 {dimension_numbers = #tpu.dot_dimension_numbers<[1], [0], [0], [1], [0, 0, 1, 1], [], []>, transpose_lhs_hint = false} : vector<2048x64xf32>, vector<64x1024xf32>, vector<2048x1024xf32> -> vector<2048x1024xf32>
    %get3A_188 = arith.constant 0 : index
    %get3A_189 = arith.constant 3072 : index
    %get3A_190 = vector.load %arg4[%get3A_188, %get3A_189] : memref<1x8192xf32, #tpu.memory_space<vmem>>, vector<1x1024xf32>
    %add3A_191 = vector.broadcast %broadcast_in_dim3A : vector<2048x1xf32> to vector<2048x1024xf32>
    %add3A_192 = vector.broadcast %get3A_190 : vector<1x1024xf32> to vector<2048x1024xf32>
    %add3A_193 = arith.addf %add3A_191, %add3A_192 : vector<2048x1024xf32>
    %sub3A_194 = arith.subf %add3A_193, %dot_general3A_187 : vector<2048x1024xf32>
    %slice3A_195 = vector.extract_strided_slice %sub3A_194 {offsets = [0, 0], sizes = [2048, 128], strides = [1, 1]} : vector<2048x1024xf32> to vector<2048x128xf32>
    %lt3A_196 = arith.cmpf olt, %slice3A_195, %select_n3A_179 : vector<2048x128xf32>
    %select_n3A_197 = arith.select %lt3A_196, %slice3A_195, %select_n3A_179 : vector<2048x128xi1>, vector<2048x128xf32>
    %jit3A_198 = arith.constant 2.400000e+01 : f32
    %broadcast_in_dim3A_199 = vector.broadcast %jit3A_198 : f32 to vector<2048x128xf32>
    %select_n3A_200 = arith.select %lt3A_196, %broadcast_in_dim3A_199, %select_n3A_182 : vector<2048x128xi1>, vector<2048x128xf32>
    %slice3A_201 = vector.extract_strided_slice %sub3A_194 {offsets = [0, 128], sizes = [2048, 128], strides = [1, 1]} : vector<2048x1024xf32> to vector<2048x128xf32>
    %lt3A_202 = arith.cmpf olt, %slice3A_201, %select_n3A_197 : vector<2048x128xf32>
    %select_n3A_203 = arith.select %lt3A_202, %slice3A_201, %select_n3A_197 : vector<2048x128xi1>, vector<2048x128xf32>
    %jit3A_204 = arith.constant 2.500000e+01 : f32
    %broadcast_in_dim3A_205 = vector.broadcast %jit3A_204 : f32 to vector<2048x128xf32>
    %select_n3A_206 = arith.select %lt3A_202, %broadcast_in_dim3A_205, %select_n3A_200 : vector<2048x128xi1>, vector<2048x128xf32>
    %slice3A_207 = vector.extract_strided_slice %sub3A_194 {offsets = [0, 256], sizes = [2048, 128], strides = [1, 1]} : vector<2048x1024xf32> to vector<2048x128xf32>
    %lt3A_208 = arith.cmpf olt, %slice3A_207, %select_n3A_203 : vector<2048x128xf32>
    %select_n3A_209 = arith.select %lt3A_208, %slice3A_207, %select_n3A_203 : vector<2048x128xi1>, vector<2048x128xf32>
    %jit3A_210 = arith.constant 2.600000e+01 : f32
    %broadcast_in_dim3A_211 = vector.broadcast %jit3A_210 : f32 to vector<2048x128xf32>
    %select_n3A_212 = arith.select %lt3A_208, %broadcast_in_dim3A_211, %select_n3A_206 : vector<2048x128xi1>, vector<2048x128xf32>
    %slice3A_213 = vector.extract_strided_slice %sub3A_194 {offsets = [0, 384], sizes = [2048, 128], strides = [1, 1]} : vector<2048x1024xf32> to vector<2048x128xf32>
    %lt3A_214 = arith.cmpf olt, %slice3A_213, %select_n3A_209 : vector<2048x128xf32>
    %select_n3A_215 = arith.select %lt3A_214, %slice3A_213, %select_n3A_209 : vector<2048x128xi1>, vector<2048x128xf32>
    %jit3A_216 = arith.constant 2.700000e+01 : f32
    %broadcast_in_dim3A_217 = vector.broadcast %jit3A_216 : f32 to vector<2048x128xf32>
    %select_n3A_218 = arith.select %lt3A_214, %broadcast_in_dim3A_217, %select_n3A_212 : vector<2048x128xi1>, vector<2048x128xf32>
    %slice3A_219 = vector.extract_strided_slice %sub3A_194 {offsets = [0, 512], sizes = [2048, 128], strides = [1, 1]} : vector<2048x1024xf32> to vector<2048x128xf32>
    %lt3A_220 = arith.cmpf olt, %slice3A_219, %select_n3A_215 : vector<2048x128xf32>
    %select_n3A_221 = arith.select %lt3A_220, %slice3A_219, %select_n3A_215 : vector<2048x128xi1>, vector<2048x128xf32>
    %jit3A_222 = arith.constant 2.800000e+01 : f32
    %broadcast_in_dim3A_223 = vector.broadcast %jit3A_222 : f32 to vector<2048x128xf32>
    %select_n3A_224 = arith.select %lt3A_220, %broadcast_in_dim3A_223, %select_n3A_218 : vector<2048x128xi1>, vector<2048x128xf32>
    %slice3A_225 = vector.extract_strided_slice %sub3A_194 {offsets = [0, 640], sizes = [2048, 128], strides = [1, 1]} : vector<2048x1024xf32> to vector<2048x128xf32>
    %lt3A_226 = arith.cmpf olt, %slice3A_225, %select_n3A_221 : vector<2048x128xf32>
    %select_n3A_227 = arith.select %lt3A_226, %slice3A_225, %select_n3A_221 : vector<2048x128xi1>, vector<2048x128xf32>
    %jit3A_228 = arith.constant 2.900000e+01 : f32
    %broadcast_in_dim3A_229 = vector.broadcast %jit3A_228 : f32 to vector<2048x128xf32>
    %select_n3A_230 = arith.select %lt3A_226, %broadcast_in_dim3A_229, %select_n3A_224 : vector<2048x128xi1>, vector<2048x128xf32>
    %slice3A_231 = vector.extract_strided_slice %sub3A_194 {offsets = [0, 768], sizes = [2048, 128], strides = [1, 1]} : vector<2048x1024xf32> to vector<2048x128xf32>
    %lt3A_232 = arith.cmpf olt, %slice3A_231, %select_n3A_227 : vector<2048x128xf32>
    %select_n3A_233 = arith.select %lt3A_232, %slice3A_231, %select_n3A_227 : vector<2048x128xi1>, vector<2048x128xf32>
    %jit3A_234 = arith.constant 3.000000e+01 : f32
    %broadcast_in_dim3A_235 = vector.broadcast %jit3A_234 : f32 to vector<2048x128xf32>
    %select_n3A_236 = arith.select %lt3A_232, %broadcast_in_dim3A_235, %select_n3A_230 : vector<2048x128xi1>, vector<2048x128xf32>
    %slice3A_237 = vector.extract_strided_slice %sub3A_194 {offsets = [0, 896], sizes = [2048, 128], strides = [1, 1]} : vector<2048x1024xf32> to vector<2048x128xf32>
    %lt3A_238 = arith.cmpf olt, %slice3A_237, %select_n3A_233 : vector<2048x128xf32>
    %select_n3A_239 = arith.select %lt3A_238, %slice3A_237, %select_n3A_233 : vector<2048x128xi1>, vector<2048x128xf32>
    %jit3A_240 = arith.constant 3.100000e+01 : f32
    %broadcast_in_dim3A_241 = vector.broadcast %jit3A_240 : f32 to vector<2048x128xf32>
    %select_n3A_242 = arith.select %lt3A_238, %broadcast_in_dim3A_241, %select_n3A_236 : vector<2048x128xi1>, vector<2048x128xf32>
    %get3A_243 = arith.constant 0 : index
    %get3A_244 = arith.constant 4096 : index
    %get3A_245 = vector.load %arg2[%get3A_243, %get3A_244] : memref<64x8192xf32, #tpu.memory_space<vmem>>, vector<64x1024xf32>
    %dot_general3A_246 = arith.constant dense<0.000000e+00> : vector<2048x1024xf32>
    %dot_general3A_247 = tpu.matmul %add3A, %get3A_245, %dot_general3A_246 {dimension_numbers = #tpu.dot_dimension_numbers<[1], [0], [0], [1], [0, 0, 1, 1], [], []>, transpose_lhs_hint = false} : vector<2048x64xf32>, vector<64x1024xf32>, vector<2048x1024xf32> -> vector<2048x1024xf32>
    %get3A_248 = arith.constant 0 : index
    %get3A_249 = arith.constant 4096 : index
    %get3A_250 = vector.load %arg4[%get3A_248, %get3A_249] : memref<1x8192xf32, #tpu.memory_space<vmem>>, vector<1x1024xf32>
    %add3A_251 = vector.broadcast %broadcast_in_dim3A : vector<2048x1xf32> to vector<2048x1024xf32>
    %add3A_252 = vector.broadcast %get3A_250 : vector<1x1024xf32> to vector<2048x1024xf32>
    %add3A_253 = arith.addf %add3A_251, %add3A_252 : vector<2048x1024xf32>
    %sub3A_254 = arith.subf %add3A_253, %dot_general3A_247 : vector<2048x1024xf32>
    %slice3A_255 = vector.extract_strided_slice %sub3A_254 {offsets = [0, 0], sizes = [2048, 128], strides = [1, 1]} : vector<2048x1024xf32> to vector<2048x128xf32>
    %lt3A_256 = arith.cmpf olt, %slice3A_255, %select_n3A_239 : vector<2048x128xf32>
    %select_n3A_257 = arith.select %lt3A_256, %slice3A_255, %select_n3A_239 : vector<2048x128xi1>, vector<2048x128xf32>
    %jit3A_258 = arith.constant 3.200000e+01 : f32
    %broadcast_in_dim3A_259 = vector.broadcast %jit3A_258 : f32 to vector<2048x128xf32>
    %select_n3A_260 = arith.select %lt3A_256, %broadcast_in_dim3A_259, %select_n3A_242 : vector<2048x128xi1>, vector<2048x128xf32>
    %slice3A_261 = vector.extract_strided_slice %sub3A_254 {offsets = [0, 128], sizes = [2048, 128], strides = [1, 1]} : vector<2048x1024xf32> to vector<2048x128xf32>
    %lt3A_262 = arith.cmpf olt, %slice3A_261, %select_n3A_257 : vector<2048x128xf32>
    %select_n3A_263 = arith.select %lt3A_262, %slice3A_261, %select_n3A_257 : vector<2048x128xi1>, vector<2048x128xf32>
    %jit3A_264 = arith.constant 3.300000e+01 : f32
    %broadcast_in_dim3A_265 = vector.broadcast %jit3A_264 : f32 to vector<2048x128xf32>
    %select_n3A_266 = arith.select %lt3A_262, %broadcast_in_dim3A_265, %select_n3A_260 : vector<2048x128xi1>, vector<2048x128xf32>
    %slice3A_267 = vector.extract_strided_slice %sub3A_254 {offsets = [0, 256], sizes = [2048, 128], strides = [1, 1]} : vector<2048x1024xf32> to vector<2048x128xf32>
    %lt3A_268 = arith.cmpf olt, %slice3A_267, %select_n3A_263 : vector<2048x128xf32>
    %select_n3A_269 = arith.select %lt3A_268, %slice3A_267, %select_n3A_263 : vector<2048x128xi1>, vector<2048x128xf32>
    %jit3A_270 = arith.constant 3.400000e+01 : f32
    %broadcast_in_dim3A_271 = vector.broadcast %jit3A_270 : f32 to vector<2048x128xf32>
    %select_n3A_272 = arith.select %lt3A_268, %broadcast_in_dim3A_271, %select_n3A_266 : vector<2048x128xi1>, vector<2048x128xf32>
    %slice3A_273 = vector.extract_strided_slice %sub3A_254 {offsets = [0, 384], sizes = [2048, 128], strides = [1, 1]} : vector<2048x1024xf32> to vector<2048x128xf32>
    %lt3A_274 = arith.cmpf olt, %slice3A_273, %select_n3A_269 : vector<2048x128xf32>
    %select_n3A_275 = arith.select %lt3A_274, %slice3A_273, %select_n3A_269 : vector<2048x128xi1>, vector<2048x128xf32>
    %jit3A_276 = arith.constant 3.500000e+01 : f32
    %broadcast_in_dim3A_277 = vector.broadcast %jit3A_276 : f32 to vector<2048x128xf32>
    %select_n3A_278 = arith.select %lt3A_274, %broadcast_in_dim3A_277, %select_n3A_272 : vector<2048x128xi1>, vector<2048x128xf32>
    %slice3A_279 = vector.extract_strided_slice %sub3A_254 {offsets = [0, 512], sizes = [2048, 128], strides = [1, 1]} : vector<2048x1024xf32> to vector<2048x128xf32>
    %lt3A_280 = arith.cmpf olt, %slice3A_279, %select_n3A_275 : vector<2048x128xf32>
    %select_n3A_281 = arith.select %lt3A_280, %slice3A_279, %select_n3A_275 : vector<2048x128xi1>, vector<2048x128xf32>
    %jit3A_282 = arith.constant 3.600000e+01 : f32
    %broadcast_in_dim3A_283 = vector.broadcast %jit3A_282 : f32 to vector<2048x128xf32>
    %select_n3A_284 = arith.select %lt3A_280, %broadcast_in_dim3A_283, %select_n3A_278 : vector<2048x128xi1>, vector<2048x128xf32>
    %slice3A_285 = vector.extract_strided_slice %sub3A_254 {offsets = [0, 640], sizes = [2048, 128], strides = [1, 1]} : vector<2048x1024xf32> to vector<2048x128xf32>
    %lt3A_286 = arith.cmpf olt, %slice3A_285, %select_n3A_281 : vector<2048x128xf32>
    %select_n3A_287 = arith.select %lt3A_286, %slice3A_285, %select_n3A_281 : vector<2048x128xi1>, vector<2048x128xf32>
    %jit3A_288 = arith.constant 3.700000e+01 : f32
    %broadcast_in_dim3A_289 = vector.broadcast %jit3A_288 : f32 to vector<2048x128xf32>
    %select_n3A_290 = arith.select %lt3A_286, %broadcast_in_dim3A_289, %select_n3A_284 : vector<2048x128xi1>, vector<2048x128xf32>
    %slice3A_291 = vector.extract_strided_slice %sub3A_254 {offsets = [0, 768], sizes = [2048, 128], strides = [1, 1]} : vector<2048x1024xf32> to vector<2048x128xf32>
    %lt3A_292 = arith.cmpf olt, %slice3A_291, %select_n3A_287 : vector<2048x128xf32>
    %select_n3A_293 = arith.select %lt3A_292, %slice3A_291, %select_n3A_287 : vector<2048x128xi1>, vector<2048x128xf32>
    %jit3A_294 = arith.constant 3.800000e+01 : f32
    %broadcast_in_dim3A_295 = vector.broadcast %jit3A_294 : f32 to vector<2048x128xf32>
    %select_n3A_296 = arith.select %lt3A_292, %broadcast_in_dim3A_295, %select_n3A_290 : vector<2048x128xi1>, vector<2048x128xf32>
    %slice3A_297 = vector.extract_strided_slice %sub3A_254 {offsets = [0, 896], sizes = [2048, 128], strides = [1, 1]} : vector<2048x1024xf32> to vector<2048x128xf32>
    %lt3A_298 = arith.cmpf olt, %slice3A_297, %select_n3A_293 : vector<2048x128xf32>
    %select_n3A_299 = arith.select %lt3A_298, %slice3A_297, %select_n3A_293 : vector<2048x128xi1>, vector<2048x128xf32>
    %jit3A_300 = arith.constant 3.900000e+01 : f32
    %broadcast_in_dim3A_301 = vector.broadcast %jit3A_300 : f32 to vector<2048x128xf32>
    %select_n3A_302 = arith.select %lt3A_298, %broadcast_in_dim3A_301, %select_n3A_296 : vector<2048x128xi1>, vector<2048x128xf32>
    %get3A_303 = arith.constant 0 : index
    %get3A_304 = arith.constant 5120 : index
    %get3A_305 = vector.load %arg2[%get3A_303, %get3A_304] : memref<64x8192xf32, #tpu.memory_space<vmem>>, vector<64x1024xf32>
    %dot_general3A_306 = arith.constant dense<0.000000e+00> : vector<2048x1024xf32>
    %dot_general3A_307 = tpu.matmul %add3A, %get3A_305, %dot_general3A_306 {dimension_numbers = #tpu.dot_dimension_numbers<[1], [0], [0], [1], [0, 0, 1, 1], [], []>, transpose_lhs_hint = false} : vector<2048x64xf32>, vector<64x1024xf32>, vector<2048x1024xf32> -> vector<2048x1024xf32>
    %get3A_308 = arith.constant 0 : index
    %get3A_309 = arith.constant 5120 : index
    %get3A_310 = vector.load %arg4[%get3A_308, %get3A_309] : memref<1x8192xf32, #tpu.memory_space<vmem>>, vector<1x1024xf32>
    %add3A_311 = vector.broadcast %broadcast_in_dim3A : vector<2048x1xf32> to vector<2048x1024xf32>
    %add3A_312 = vector.broadcast %get3A_310 : vector<1x1024xf32> to vector<2048x1024xf32>
    %add3A_313 = arith.addf %add3A_311, %add3A_312 : vector<2048x1024xf32>
    %sub3A_314 = arith.subf %add3A_313, %dot_general3A_307 : vector<2048x1024xf32>
    %slice3A_315 = vector.extract_strided_slice %sub3A_314 {offsets = [0, 0], sizes = [2048, 128], strides = [1, 1]} : vector<2048x1024xf32> to vector<2048x128xf32>
    %lt3A_316 = arith.cmpf olt, %slice3A_315, %select_n3A_299 : vector<2048x128xf32>
    %select_n3A_317 = arith.select %lt3A_316, %slice3A_315, %select_n3A_299 : vector<2048x128xi1>, vector<2048x128xf32>
    %jit3A_318 = arith.constant 4.000000e+01 : f32
    %broadcast_in_dim3A_319 = vector.broadcast %jit3A_318 : f32 to vector<2048x128xf32>
    %select_n3A_320 = arith.select %lt3A_316, %broadcast_in_dim3A_319, %select_n3A_302 : vector<2048x128xi1>, vector<2048x128xf32>
    %slice3A_321 = vector.extract_strided_slice %sub3A_314 {offsets = [0, 128], sizes = [2048, 128], strides = [1, 1]} : vector<2048x1024xf32> to vector<2048x128xf32>
    %lt3A_322 = arith.cmpf olt, %slice3A_321, %select_n3A_317 : vector<2048x128xf32>
    %select_n3A_323 = arith.select %lt3A_322, %slice3A_321, %select_n3A_317 : vector<2048x128xi1>, vector<2048x128xf32>
    %jit3A_324 = arith.constant 4.100000e+01 : f32
    %broadcast_in_dim3A_325 = vector.broadcast %jit3A_324 : f32 to vector<2048x128xf32>
    %select_n3A_326 = arith.select %lt3A_322, %broadcast_in_dim3A_325, %select_n3A_320 : vector<2048x128xi1>, vector<2048x128xf32>
    %slice3A_327 = vector.extract_strided_slice %sub3A_314 {offsets = [0, 256], sizes = [2048, 128], strides = [1, 1]} : vector<2048x1024xf32> to vector<2048x128xf32>
    %lt3A_328 = arith.cmpf olt, %slice3A_327, %select_n3A_323 : vector<2048x128xf32>
    %select_n3A_329 = arith.select %lt3A_328, %slice3A_327, %select_n3A_323 : vector<2048x128xi1>, vector<2048x128xf32>
    %jit3A_330 = arith.constant 4.200000e+01 : f32
    %broadcast_in_dim3A_331 = vector.broadcast %jit3A_330 : f32 to vector<2048x128xf32>
    %select_n3A_332 = arith.select %lt3A_328, %broadcast_in_dim3A_331, %select_n3A_326 : vector<2048x128xi1>, vector<2048x128xf32>
    %slice3A_333 = vector.extract_strided_slice %sub3A_314 {offsets = [0, 384], sizes = [2048, 128], strides = [1, 1]} : vector<2048x1024xf32> to vector<2048x128xf32>
    %lt3A_334 = arith.cmpf olt, %slice3A_333, %select_n3A_329 : vector<2048x128xf32>
    %select_n3A_335 = arith.select %lt3A_334, %slice3A_333, %select_n3A_329 : vector<2048x128xi1>, vector<2048x128xf32>
    %jit3A_336 = arith.constant 4.300000e+01 : f32
    %broadcast_in_dim3A_337 = vector.broadcast %jit3A_336 : f32 to vector<2048x128xf32>
    %select_n3A_338 = arith.select %lt3A_334, %broadcast_in_dim3A_337, %select_n3A_332 : vector<2048x128xi1>, vector<2048x128xf32>
    %slice3A_339 = vector.extract_strided_slice %sub3A_314 {offsets = [0, 512], sizes = [2048, 128], strides = [1, 1]} : vector<2048x1024xf32> to vector<2048x128xf32>
    %lt3A_340 = arith.cmpf olt, %slice3A_339, %select_n3A_335 : vector<2048x128xf32>
    %select_n3A_341 = arith.select %lt3A_340, %slice3A_339, %select_n3A_335 : vector<2048x128xi1>, vector<2048x128xf32>
    %jit3A_342 = arith.constant 4.400000e+01 : f32
    %broadcast_in_dim3A_343 = vector.broadcast %jit3A_342 : f32 to vector<2048x128xf32>
    %select_n3A_344 = arith.select %lt3A_340, %broadcast_in_dim3A_343, %select_n3A_338 : vector<2048x128xi1>, vector<2048x128xf32>
    %slice3A_345 = vector.extract_strided_slice %sub3A_314 {offsets = [0, 640], sizes = [2048, 128], strides = [1, 1]} : vector<2048x1024xf32> to vector<2048x128xf32>
    %lt3A_346 = arith.cmpf olt, %slice3A_345, %select_n3A_341 : vector<2048x128xf32>
    %select_n3A_347 = arith.select %lt3A_346, %slice3A_345, %select_n3A_341 : vector<2048x128xi1>, vector<2048x128xf32>
    %jit3A_348 = arith.constant 4.500000e+01 : f32
    %broadcast_in_dim3A_349 = vector.broadcast %jit3A_348 : f32 to vector<2048x128xf32>
    %select_n3A_350 = arith.select %lt3A_346, %broadcast_in_dim3A_349, %select_n3A_344 : vector<2048x128xi1>, vector<2048x128xf32>
    %slice3A_351 = vector.extract_strided_slice %sub3A_314 {offsets = [0, 768], sizes = [2048, 128], strides = [1, 1]} : vector<2048x1024xf32> to vector<2048x128xf32>
    %lt3A_352 = arith.cmpf olt, %slice3A_351, %select_n3A_347 : vector<2048x128xf32>
    %select_n3A_353 = arith.select %lt3A_352, %slice3A_351, %select_n3A_347 : vector<2048x128xi1>, vector<2048x128xf32>
    %jit3A_354 = arith.constant 4.600000e+01 : f32
    %broadcast_in_dim3A_355 = vector.broadcast %jit3A_354 : f32 to vector<2048x128xf32>
    %select_n3A_356 = arith.select %lt3A_352, %broadcast_in_dim3A_355, %select_n3A_350 : vector<2048x128xi1>, vector<2048x128xf32>
    %slice3A_357 = vector.extract_strided_slice %sub3A_314 {offsets = [0, 896], sizes = [2048, 128], strides = [1, 1]} : vector<2048x1024xf32> to vector<2048x128xf32>
    %lt3A_358 = arith.cmpf olt, %slice3A_357, %select_n3A_353 : vector<2048x128xf32>
    %select_n3A_359 = arith.select %lt3A_358, %slice3A_357, %select_n3A_353 : vector<2048x128xi1>, vector<2048x128xf32>
    %jit3A_360 = arith.constant 4.700000e+01 : f32
    %broadcast_in_dim3A_361 = vector.broadcast %jit3A_360 : f32 to vector<2048x128xf32>
    %select_n3A_362 = arith.select %lt3A_358, %broadcast_in_dim3A_361, %select_n3A_356 : vector<2048x128xi1>, vector<2048x128xf32>
    %get3A_363 = arith.constant 0 : index
    %get3A_364 = arith.constant 6144 : index
    %get3A_365 = vector.load %arg2[%get3A_363, %get3A_364] : memref<64x8192xf32, #tpu.memory_space<vmem>>, vector<64x1024xf32>
    %dot_general3A_366 = arith.constant dense<0.000000e+00> : vector<2048x1024xf32>
    %dot_general3A_367 = tpu.matmul %add3A, %get3A_365, %dot_general3A_366 {dimension_numbers = #tpu.dot_dimension_numbers<[1], [0], [0], [1], [0, 0, 1, 1], [], []>, transpose_lhs_hint = false} : vector<2048x64xf32>, vector<64x1024xf32>, vector<2048x1024xf32> -> vector<2048x1024xf32>
    %get3A_368 = arith.constant 0 : index
    %get3A_369 = arith.constant 6144 : index
    %get3A_370 = vector.load %arg4[%get3A_368, %get3A_369] : memref<1x8192xf32, #tpu.memory_space<vmem>>, vector<1x1024xf32>
    %add3A_371 = vector.broadcast %broadcast_in_dim3A : vector<2048x1xf32> to vector<2048x1024xf32>
    %add3A_372 = vector.broadcast %get3A_370 : vector<1x1024xf32> to vector<2048x1024xf32>
    %add3A_373 = arith.addf %add3A_371, %add3A_372 : vector<2048x1024xf32>
    %sub3A_374 = arith.subf %add3A_373, %dot_general3A_367 : vector<2048x1024xf32>
    %slice3A_375 = vector.extract_strided_slice %sub3A_374 {offsets = [0, 0], sizes = [2048, 128], strides = [1, 1]} : vector<2048x1024xf32> to vector<2048x128xf32>
    %lt3A_376 = arith.cmpf olt, %slice3A_375, %select_n3A_359 : vector<2048x128xf32>
    %select_n3A_377 = arith.select %lt3A_376, %slice3A_375, %select_n3A_359 : vector<2048x128xi1>, vector<2048x128xf32>
    %jit3A_378 = arith.constant 4.800000e+01 : f32
    %broadcast_in_dim3A_379 = vector.broadcast %jit3A_378 : f32 to vector<2048x128xf32>
    %select_n3A_380 = arith.select %lt3A_376, %broadcast_in_dim3A_379, %select_n3A_362 : vector<2048x128xi1>, vector<2048x128xf32>
    %slice3A_381 = vector.extract_strided_slice %sub3A_374 {offsets = [0, 128], sizes = [2048, 128], strides = [1, 1]} : vector<2048x1024xf32> to vector<2048x128xf32>
    %lt3A_382 = arith.cmpf olt, %slice3A_381, %select_n3A_377 : vector<2048x128xf32>
    %select_n3A_383 = arith.select %lt3A_382, %slice3A_381, %select_n3A_377 : vector<2048x128xi1>, vector<2048x128xf32>
    %jit3A_384 = arith.constant 4.900000e+01 : f32
    %broadcast_in_dim3A_385 = vector.broadcast %jit3A_384 : f32 to vector<2048x128xf32>
    %select_n3A_386 = arith.select %lt3A_382, %broadcast_in_dim3A_385, %select_n3A_380 : vector<2048x128xi1>, vector<2048x128xf32>
    %slice3A_387 = vector.extract_strided_slice %sub3A_374 {offsets = [0, 256], sizes = [2048, 128], strides = [1, 1]} : vector<2048x1024xf32> to vector<2048x128xf32>
    %lt3A_388 = arith.cmpf olt, %slice3A_387, %select_n3A_383 : vector<2048x128xf32>
    %select_n3A_389 = arith.select %lt3A_388, %slice3A_387, %select_n3A_383 : vector<2048x128xi1>, vector<2048x128xf32>
    %jit3A_390 = arith.constant 5.000000e+01 : f32
    %broadcast_in_dim3A_391 = vector.broadcast %jit3A_390 : f32 to vector<2048x128xf32>
    %select_n3A_392 = arith.select %lt3A_388, %broadcast_in_dim3A_391, %select_n3A_386 : vector<2048x128xi1>, vector<2048x128xf32>
    %slice3A_393 = vector.extract_strided_slice %sub3A_374 {offsets = [0, 384], sizes = [2048, 128], strides = [1, 1]} : vector<2048x1024xf32> to vector<2048x128xf32>
    %lt3A_394 = arith.cmpf olt, %slice3A_393, %select_n3A_389 : vector<2048x128xf32>
    %select_n3A_395 = arith.select %lt3A_394, %slice3A_393, %select_n3A_389 : vector<2048x128xi1>, vector<2048x128xf32>
    %jit3A_396 = arith.constant 5.100000e+01 : f32
    %broadcast_in_dim3A_397 = vector.broadcast %jit3A_396 : f32 to vector<2048x128xf32>
    %select_n3A_398 = arith.select %lt3A_394, %broadcast_in_dim3A_397, %select_n3A_392 : vector<2048x128xi1>, vector<2048x128xf32>
    %slice3A_399 = vector.extract_strided_slice %sub3A_374 {offsets = [0, 512], sizes = [2048, 128], strides = [1, 1]} : vector<2048x1024xf32> to vector<2048x128xf32>
    %lt3A_400 = arith.cmpf olt, %slice3A_399, %select_n3A_395 : vector<2048x128xf32>
    %select_n3A_401 = arith.select %lt3A_400, %slice3A_399, %select_n3A_395 : vector<2048x128xi1>, vector<2048x128xf32>
    %jit3A_402 = arith.constant 5.200000e+01 : f32
    %broadcast_in_dim3A_403 = vector.broadcast %jit3A_402 : f32 to vector<2048x128xf32>
    %select_n3A_404 = arith.select %lt3A_400, %broadcast_in_dim3A_403, %select_n3A_398 : vector<2048x128xi1>, vector<2048x128xf32>
    %slice3A_405 = vector.extract_strided_slice %sub3A_374 {offsets = [0, 640], sizes = [2048, 128], strides = [1, 1]} : vector<2048x1024xf32> to vector<2048x128xf32>
    %lt3A_406 = arith.cmpf olt, %slice3A_405, %select_n3A_401 : vector<2048x128xf32>
    %select_n3A_407 = arith.select %lt3A_406, %slice3A_405, %select_n3A_401 : vector<2048x128xi1>, vector<2048x128xf32>
    %jit3A_408 = arith.constant 5.300000e+01 : f32
    %broadcast_in_dim3A_409 = vector.broadcast %jit3A_408 : f32 to vector<2048x128xf32>
    %select_n3A_410 = arith.select %lt3A_406, %broadcast_in_dim3A_409, %select_n3A_404 : vector<2048x128xi1>, vector<2048x128xf32>
    %slice3A_411 = vector.extract_strided_slice %sub3A_374 {offsets = [0, 768], sizes = [2048, 128], strides = [1, 1]} : vector<2048x1024xf32> to vector<2048x128xf32>
    %lt3A_412 = arith.cmpf olt, %slice3A_411, %select_n3A_407 : vector<2048x128xf32>
    %select_n3A_413 = arith.select %lt3A_412, %slice3A_411, %select_n3A_407 : vector<2048x128xi1>, vector<2048x128xf32>
    %jit3A_414 = arith.constant 5.400000e+01 : f32
    %broadcast_in_dim3A_415 = vector.broadcast %jit3A_414 : f32 to vector<2048x128xf32>
    %select_n3A_416 = arith.select %lt3A_412, %broadcast_in_dim3A_415, %select_n3A_410 : vector<2048x128xi1>, vector<2048x128xf32>
    %slice3A_417 = vector.extract_strided_slice %sub3A_374 {offsets = [0, 896], sizes = [2048, 128], strides = [1, 1]} : vector<2048x1024xf32> to vector<2048x128xf32>
    %lt3A_418 = arith.cmpf olt, %slice3A_417, %select_n3A_413 : vector<2048x128xf32>
    %select_n3A_419 = arith.select %lt3A_418, %slice3A_417, %select_n3A_413 : vector<2048x128xi1>, vector<2048x128xf32>
    %jit3A_420 = arith.constant 5.500000e+01 : f32
    %broadcast_in_dim3A_421 = vector.broadcast %jit3A_420 : f32 to vector<2048x128xf32>
    %select_n3A_422 = arith.select %lt3A_418, %broadcast_in_dim3A_421, %select_n3A_416 : vector<2048x128xi1>, vector<2048x128xf32>
    %get3A_423 = arith.constant 0 : index
    %get3A_424 = arith.constant 7168 : index
    %get3A_425 = vector.load %arg2[%get3A_423, %get3A_424] : memref<64x8192xf32, #tpu.memory_space<vmem>>, vector<64x1024xf32>
    %dot_general3A_426 = arith.constant dense<0.000000e+00> : vector<2048x1024xf32>
    %dot_general3A_427 = tpu.matmul %add3A, %get3A_425, %dot_general3A_426 {dimension_numbers = #tpu.dot_dimension_numbers<[1], [0], [0], [1], [0, 0, 1, 1], [], []>, transpose_lhs_hint = false} : vector<2048x64xf32>, vector<64x1024xf32>, vector<2048x1024xf32> -> vector<2048x1024xf32>
    %get3A_428 = arith.constant 0 : index
    %get3A_429 = arith.constant 7168 : index
    %get3A_430 = vector.load %arg4[%get3A_428, %get3A_429] : memref<1x8192xf32, #tpu.memory_space<vmem>>, vector<1x1024xf32>
    %add3A_431 = vector.broadcast %broadcast_in_dim3A : vector<2048x1xf32> to vector<2048x1024xf32>
    %add3A_432 = vector.broadcast %get3A_430 : vector<1x1024xf32> to vector<2048x1024xf32>
    %add3A_433 = arith.addf %add3A_431, %add3A_432 : vector<2048x1024xf32>
    %sub3A_434 = arith.subf %add3A_433, %dot_general3A_427 : vector<2048x1024xf32>
    %slice3A_435 = vector.extract_strided_slice %sub3A_434 {offsets = [0, 0], sizes = [2048, 128], strides = [1, 1]} : vector<2048x1024xf32> to vector<2048x128xf32>
    %lt3A_436 = arith.cmpf olt, %slice3A_435, %select_n3A_419 : vector<2048x128xf32>
    %select_n3A_437 = arith.select %lt3A_436, %slice3A_435, %select_n3A_419 : vector<2048x128xi1>, vector<2048x128xf32>
    %jit3A_438 = arith.constant 5.600000e+01 : f32
    %broadcast_in_dim3A_439 = vector.broadcast %jit3A_438 : f32 to vector<2048x128xf32>
    %select_n3A_440 = arith.select %lt3A_436, %broadcast_in_dim3A_439, %select_n3A_422 : vector<2048x128xi1>, vector<2048x128xf32>
    %slice3A_441 = vector.extract_strided_slice %sub3A_434 {offsets = [0, 128], sizes = [2048, 128], strides = [1, 1]} : vector<2048x1024xf32> to vector<2048x128xf32>
    %lt3A_442 = arith.cmpf olt, %slice3A_441, %select_n3A_437 : vector<2048x128xf32>
    %select_n3A_443 = arith.select %lt3A_442, %slice3A_441, %select_n3A_437 : vector<2048x128xi1>, vector<2048x128xf32>
    %jit3A_444 = arith.constant 5.700000e+01 : f32
    %broadcast_in_dim3A_445 = vector.broadcast %jit3A_444 : f32 to vector<2048x128xf32>
    %select_n3A_446 = arith.select %lt3A_442, %broadcast_in_dim3A_445, %select_n3A_440 : vector<2048x128xi1>, vector<2048x128xf32>
    %slice3A_447 = vector.extract_strided_slice %sub3A_434 {offsets = [0, 256], sizes = [2048, 128], strides = [1, 1]} : vector<2048x1024xf32> to vector<2048x128xf32>
    %lt3A_448 = arith.cmpf olt, %slice3A_447, %select_n3A_443 : vector<2048x128xf32>
    %select_n3A_449 = arith.select %lt3A_448, %slice3A_447, %select_n3A_443 : vector<2048x128xi1>, vector<2048x128xf32>
    %jit3A_450 = arith.constant 5.800000e+01 : f32
    %broadcast_in_dim3A_451 = vector.broadcast %jit3A_450 : f32 to vector<2048x128xf32>
    %select_n3A_452 = arith.select %lt3A_448, %broadcast_in_dim3A_451, %select_n3A_446 : vector<2048x128xi1>, vector<2048x128xf32>
    %slice3A_453 = vector.extract_strided_slice %sub3A_434 {offsets = [0, 384], sizes = [2048, 128], strides = [1, 1]} : vector<2048x1024xf32> to vector<2048x128xf32>
    %lt3A_454 = arith.cmpf olt, %slice3A_453, %select_n3A_449 : vector<2048x128xf32>
    %select_n3A_455 = arith.select %lt3A_454, %slice3A_453, %select_n3A_449 : vector<2048x128xi1>, vector<2048x128xf32>
    %jit3A_456 = arith.constant 5.900000e+01 : f32
    %broadcast_in_dim3A_457 = vector.broadcast %jit3A_456 : f32 to vector<2048x128xf32>
    %select_n3A_458 = arith.select %lt3A_454, %broadcast_in_dim3A_457, %select_n3A_452 : vector<2048x128xi1>, vector<2048x128xf32>
    %slice3A_459 = vector.extract_strided_slice %sub3A_434 {offsets = [0, 512], sizes = [2048, 128], strides = [1, 1]} : vector<2048x1024xf32> to vector<2048x128xf32>
    %lt3A_460 = arith.cmpf olt, %slice3A_459, %select_n3A_455 : vector<2048x128xf32>
    %select_n3A_461 = arith.select %lt3A_460, %slice3A_459, %select_n3A_455 : vector<2048x128xi1>, vector<2048x128xf32>
    %jit3A_462 = arith.constant 6.000000e+01 : f32
    %broadcast_in_dim3A_463 = vector.broadcast %jit3A_462 : f32 to vector<2048x128xf32>
    %select_n3A_464 = arith.select %lt3A_460, %broadcast_in_dim3A_463, %select_n3A_458 : vector<2048x128xi1>, vector<2048x128xf32>
    %slice3A_465 = vector.extract_strided_slice %sub3A_434 {offsets = [0, 640], sizes = [2048, 128], strides = [1, 1]} : vector<2048x1024xf32> to vector<2048x128xf32>
    %lt3A_466 = arith.cmpf olt, %slice3A_465, %select_n3A_461 : vector<2048x128xf32>
    %select_n3A_467 = arith.select %lt3A_466, %slice3A_465, %select_n3A_461 : vector<2048x128xi1>, vector<2048x128xf32>
    %jit3A_468 = arith.constant 6.100000e+01 : f32
    %broadcast_in_dim3A_469 = vector.broadcast %jit3A_468 : f32 to vector<2048x128xf32>
    %select_n3A_470 = arith.select %lt3A_466, %broadcast_in_dim3A_469, %select_n3A_464 : vector<2048x128xi1>, vector<2048x128xf32>
    %slice3A_471 = vector.extract_strided_slice %sub3A_434 {offsets = [0, 768], sizes = [2048, 128], strides = [1, 1]} : vector<2048x1024xf32> to vector<2048x128xf32>
    %lt3A_472 = arith.cmpf olt, %slice3A_471, %select_n3A_467 : vector<2048x128xf32>
    %select_n3A_473 = arith.select %lt3A_472, %slice3A_471, %select_n3A_467 : vector<2048x128xi1>, vector<2048x128xf32>
    %jit3A_474 = arith.constant 6.200000e+01 : f32
    %broadcast_in_dim3A_475 = vector.broadcast %jit3A_474 : f32 to vector<2048x128xf32>
    %select_n3A_476 = arith.select %lt3A_472, %broadcast_in_dim3A_475, %select_n3A_470 : vector<2048x128xi1>, vector<2048x128xf32>
    %slice3A_477 = vector.extract_strided_slice %sub3A_434 {offsets = [0, 896], sizes = [2048, 128], strides = [1, 1]} : vector<2048x1024xf32> to vector<2048x128xf32>
    %lt3A_478 = arith.cmpf olt, %slice3A_477, %select_n3A_473 : vector<2048x128xf32>
    %select_n3A_479 = arith.select %lt3A_478, %slice3A_477, %select_n3A_473 : vector<2048x128xi1>, vector<2048x128xf32>
    %jit3A_480 = arith.constant 6.300000e+01 : f32
    %broadcast_in_dim3A_481 = vector.broadcast %jit3A_480 : f32 to vector<2048x128xf32>
    %select_n3A_482 = arith.select %lt3A_478, %broadcast_in_dim3A_481, %select_n3A_476 : vector<2048x128xi1>, vector<2048x128xf32>
    %iota3A = tpu.iota {dimensions = array<i32: 1>} : vector<2048x128xi32>
    %convert_element_type3A_483 = arith.sitofp %iota3A : vector<2048x128xi32> to vector<2048x128xf32>
    %mul3A_484 = arith.constant 1.280000e+02 : f32
    %mul3A_485 = vector.broadcast %mul3A_484 : f32 to vector<2048x128xf32>
    %mul3A_486 = arith.mulf %select_n3A_482, %mul3A_485 : vector<2048x128xf32>
    %add3A_487 = arith.addf %mul3A_486, %convert_element_type3A_483 : vector<2048x128xf32>
    %reduce_min3A = arith.constant dense<0x7F800000> : vector<2048xf32>
    %reduce_min3A_488 = vector.multi_reduction <minimumf>, %select_n3A_479, %reduce_min3A [1] : vector<2048x128xf32> to vector<2048xf32>
    %broadcast_in_dim3A_489 = vector.shape_cast %reduce_min3A_488 : vector<2048xf32> to vector<2048x1xf32>
    %le3A = vector.broadcast %broadcast_in_dim3A_489 : vector<2048x1xf32> to vector<2048x128xf32>
    %le3A_490 = arith.cmpf ole, %select_n3A_479, %le3A : vector<2048x128xf32>
    %jit3A_491 = arith.constant 8.192000e+03 : f32
    %broadcast_in_dim3A_492 = vector.broadcast %jit3A_491 : f32 to vector<2048x128xf32>
    %select_n3A_493 = arith.select %le3A_490, %add3A_487, %broadcast_in_dim3A_492 : vector<2048x128xi1>, vector<2048x128xf32>
    %reduce_min3A_494 = arith.constant dense<0x7F800000> : vector<2048xf32>
    %reduce_min3A_495 = vector.multi_reduction <minimumf>, %select_n3A_493, %reduce_min3A_494 [1] : vector<2048x128xf32> to vector<2048xf32>
    %broadcast_in_dim3A_496 = vector.shape_cast %reduce_min3A_495 : vector<2048xf32> to vector<2048x1xf32>
    %convert_element_type3A_497 = arith.fptosi %broadcast_in_dim3A_496 : vector<2048x1xf32> to vector<2048x1xi32>
    %swap3A = arith.constant 0 : index
    %swap3A_498 = arith.constant 0 : index
    %swap3A_499 = vector.load %arg3[%swap3A, %swap3A_498] : memref<2048x1xi32, #tpu.memory_space<vmem>>, vector<2048x1xi32>
    tpu.vector_store %arg3[%swap3A, %swap3A_498], %convert_element_type3A_497 {strides = array<i32>} : memref<2048x1xi32, #tpu.memory_space<vmem>>, vector<2048x1xi32>,
    return
  }
  func.func @transform_0(%arg0: i32) -> (i32, i32) {
    %c0_i32 = arith.constant 0 : i32
    %c0_i32_0 = arith.constant 0 : i32
    return %arg0, %c0_i32 : i32, i32
  }
  func.func @transform_1(%arg0: i32) -> (i32, i32) {
    %c0_i32 = arith.constant 0 : i32
    %c0_i32_0 = arith.constant 0 : i32
    %c0_i32_1 = arith.constant 0 : i32
    return %c0_i32, %c0_i32_0 : i32, i32
  }
  func.func @transform_2(%arg0: i32) -> (i32, i32) {
    %c0_i32 = arith.constant 0 : i32
    %c0_i32_0 = arith.constant 0 : i32
    return %arg0, %c0_i32 : i32, i32
  }
}

</mosaic_0001>

<sc_bundles>
// kernel: kernel.4.cloned.1.call-start
scs
__scs_entry_jumppad:
0x0: {  	(pc) =	sbr.rel $0x88, $3  }
0x1: {  	(tag) =	ssettag $0x0;
	lr =	simm.s32 $0x1  }
0x2: {  	[smem:$0x3F9F] =	sst lr;
	_ =	strace $0xD0000000  }
0x3: {  	_ = 	snop  }
0x4: {  	_ = 	snop  }
0x5: {  	_ = 	snop  }
0x6: {  	_ = 	snop  }
0x7: {  	_ = 	snop  }
__scs_overlays_trampoline_lowered:
0x8: {  	[smem:$0x3FAE] =	sst s0  }
0x9: {  	[smem:$0x3FAF] =	sst s1  }
0xa: {  	[smem:$0x3FB0] =	sst s2  }
0xb: {  	[smem:$0x3FB1] =	sst s3  }
0xc: {  	[smem:$0x3FB2] =	sst s4  }
0xd: {  	[smem:$0x3FB3] =	sst s5  }
0xe: {  	[smem:$0x3FB4] =	sst s6  }
0xf: {  	[smem:$0x3FB5] =	sst s7  }
0x10: {  	[smem:$0x3FB6] =	sst s8  }
0x11: {  	[smem:$0x3FB7] =	sst s9;
	s0 =	simm.s32 @!p0 $0x0  }
0x12: {  	s1 =	sld [smem:$0x3F9D];
	s0 =	simm.s32 @p0 $0x1  }
0x13: {  	[smem:$0x3FB8] =	sst s0;
	s0 =	simm.s32 @!p1 $0x0  }
0x14: {  	s2 =	sld [smem:$0x3F9C];
	s0 =	simm.s32 @p1 $0x1  }
0x15: {  	[smem:$0x3FB9] =	sst s0;
	s0 =	simm.s32 @!p2 $0x0  }
0x16: {  	s3 =	sld [smem:$0x3FDB];
	s0 =	simm.s32 @p2 $0x1  }
0x17: {  	s4 =	simm.s32 $0x1BF5;
	[smem:$0x3FBB] =	sst s0  }
0x18: {  	s0 =	sld [smem:$0x3F9E];
	_ =	swait.ge [sflag:s4], $0x0  }
0x19: {  	s7 =	sld [smem:$0x3F9F]  }
0x1a: {  	s8 =	sadd.s32 $0xFFFFE003, lr  }
0x1b: {  	s9 =	sadd.s32 $0xFFFFFEF7, lr;
	s5 =	simm.s32 $0xFFFFFFFF;
	p2 =	slt.u32 s8, $0xFFFFF086  }
0x1c: {  	p1 =	slt.u32 s9, $0xF7A;
	s5 =	simm.s32 @!p2 $0x0  }
0x1d: {  	s5 =	simm.s32 @p1 $0x1;
	p0 =	seq.s32 s7, s2  }
0x1e: {  	s7 =	smul.u32 @!p0 $0xF7A, s2;
	p2 =	seq.s32 @!p0 s5, $0x0  }
0x1f: {  	s9 =	smul.u32 $0xF7A, s1;
	s8 =	simm.s32 @!p0 $0x1BF5;
	p2 =	por !p2, p0  }
0x20: {  	[sflag:s8] =	ssyncset.s32 @!p0 $0xFFFFF086;
	s6 =	sadd.s32 @!p0 s3, s7;
	s7 =	simm.s32 @!p0 $0x108  }
0x21: {  	s3 =	sadd.s32 s3, s9;
	s6 =	sadd.s32 @!p0 $0x88, s6;
	s7 =	simm.s32 @p2 $0x1082  }
0x22: {  	[simem:s7], [sflag:s8] =	dma.local @!p0 [hbm:s6], $0xF7A  }
0x23: {  	s9 =	sor.u32 $0xD0000000, s2;
	s6 =	simm.s32 $0x108;
	_ =	swait.ge @!p0 [sflag:s8], $0x0  }
0x24: {  	s3 =	sadd.s32 $0x88, s3;
	s6 =	simm.s32 @!p1 $0x1082;
	[sflag:s4] =	ssyncset.s32 $0xFFFFF086  }
0x25: {  	[simem:s6], [sflag:s4] =	dma.local [hbm:s3], $0xF7A  }
0x26: {  	[smem:$0x3F9F] =	sst s1;
	(tag) =	ssettag s2;
	_ =	strace s9  }
0x27: {  	s1 =	sld [smem:$0x3FAF]  }
0x28: {  	s2 =	sld [smem:$0x3FB0]  }
0x29: {  	s4 =	sld [smem:$0x3FB2]  }
0x2a: {  	p0 =	seq.s32 s5, $0x0;
	s5 =	sld [smem:$0x3FB3]  }
0x2b: {  	s6 =	sld [smem:$0x3FB4]  }
0x2c: {  	s7 =	sld [smem:$0x3FB5]  }
0x2d: {  	s3 =	simm.s32 $0x108;
	s8 =	sld [smem:$0x3FB6]  }
0x2e: {  	s3 =	simm.s32 @!p0 $0x1082;
	s9 =	sld [smem:$0x3FB7]  }
0x2f: {  	lr =	sadd.s32 s0, s3;
	s0 =	sld [smem:$0x3FAE]  }
0x30: {  	s3 =	sld [smem:$0x3FB1]  }
0x31: {  	[smem:$0x3FBA] =	sst s10  }
0x32: {  	s10 =	sld [smem:$0x3FB8];
	_ =	sdelay $0x3  }
0x33: {  	p0 =	seq.s32 s10, $0x1;
	s10 =	sld [smem:$0x3FBA];
	_ =	sdelay $0x3  }
0x34: {  	[smem:$0x3FBA] =	sst s10  }
0x35: {  	s10 =	sld [smem:$0x3FB9];
	_ =	sdelay $0x3  }
0x36: {  	p1 =	seq.s32 s10, $0x1;
	s10 =	sld [smem:$0x3FBA];
	_ =	sdelay $0x3  }
0x37: {  	[smem:$0x3FBA] =	sst s10  }
0x38: {  	s10 =	sld [smem:$0x3FBB]  }
0x39: {  	_ = 	snop;
	(pc) =	sbr.ind lr, $3  }
0x3a: {  	_ = 	snop  }
0x3b: {  	_ = 	snop  }
0x3c: {  	p2 =	seq.s32 s10, $0x1;
	s10 =	sld [smem:$0x3FBA]  }
0x3d: {  	_ =	shalt  }
0x3e: {  	_ =	shalt  }
0x3f: {  	_ =	shalt  }
0x40: {  	_ =	shalt  }
0x41: {  	_ =	shalt  }
0x42: {  	_ =	shalt  }
0x43: {  	_ =	shalt  }
0x44: {  	_ =	shalt  }
0x45: {  	_ =	shalt  }
0x46: {  	_ =	shalt  }
0x47: {  	_ =	shalt  }
0x48: {  	_ =	shalt  }
0x49: {  	_ =	shalt  }
0x4a: {  	_ =	shalt  }
0x4b: {  	_ =	shalt  }
0x4c: {  	_ =	shalt  }
0x4d: {  	_ =	shalt  }
0x4e: {  	_ =	shalt  }
0x4f: {  	_ =	shalt  }
0x50: {  	_ =	shalt  }
0x51: {  	_ =	shalt  }
0x52: {  	_ =	shalt  }
0x53: {  	_ =	shalt  }
0x54: {  	_ =	shalt  }
0x55: {  	_ =	shalt  }
0x56: {  	_ =	shalt  }
0x57: {  	_ =	shalt  }
0x58: {  	_ =	shalt  }
0x59: {  	_ =	shalt  }
0x5a: {  	_ =	shalt  }
0x5b: {  	_ =	shalt  }
0x5c: {  	_ =	shalt  }
0x5d: {  	_ =	shalt  }
0x5e: {  	_ =	shalt  }
0x5f: {  	_ =	shalt  }
0x60: {  	_ =	shalt  }
0x61: {  	_ =	shalt  }
0x62: {  	_ =	shalt  }
0x63: {  	_ =	shalt  }
0x64: {  	_ =	shalt  }
0x65: {  	_ =	shalt  }
0x66: {  	_ =	shalt  }
0x67: {  	_ =	shalt  }
0x68: {  	_ =	shalt  }
0x69: {  	_ =	shalt  }
0x6a: {  	_ =	shalt  }
0x6b: {  	_ =	shalt  }
0x6c: {  	_ =	shalt  }
0x6d: {  	_ =	shalt  }
0x6e: {  	_ =	shalt  }
0x6f: {  	_ =	shalt  }
0x70: {  	_ =	shalt  }
0x71: {  	_ =	shalt  }
0x72: {  	_ =	shalt  }
0x73: {  	_ =	shalt  }
0x74: {  	_ =	shalt  }
0x75: {  	_ =	shalt  }
0x76: {  	_ =	shalt  }
0x77: {  	_ =	shalt  }
0x78: {  	_ =	shalt  }
0x79: {  	_ =	shalt  }
0x7a: {  	_ =	shalt  }
0x7b: {  	_ =	shalt  }
0x7c: {  	_ =	shalt  }
0x7d: {  	_ =	shalt  }
0x7e: {  	_ =	shalt  }
0x7f: {  	_ =	shalt  }
0x80: {  	_ =	shalt  }
0x81: {  	_ =	shalt  }
0x82: {  	_ =	shalt  }
0x83: {  	_ =	shalt  }
0x84: {  	_ =	shalt  }
0x85: {  	_ =	shalt  }
0x86: {  	_ =	shalt  }
0x87: {  	_ =	shalt  }
.Lfunc_end0:
.L_simem_size_0:
called_computation_lowered:
.L_overlay_start_0:
0x88: {  	s2 =	sld [smem:$0x3FD9]  }
0x89: {  	s3 =	sld [smem:$0x3FFE];
	_ =	sdelay $0x1  }
0x8a: {  	s1 =	srdreg.scid  }
0x8b: {  	s0 =	sand.u32 $0x1, s1  }
0x8c: {  	s17 =	sshll.u32 s0, $0xA;
	s2 =	sadd.s32 s3, s2  }
0x8d: {  	s2 =	sadd.s32 s2, s17  }
0x8e: {  	[smem:$0x3FC6] =	sst s2  }
0x8f: {  	_ = 	snop  }
0x90: {  	s2 =	sld [smem:$0x3FD0];
	(tm) =	ssettm $0x1  }
0x91: {  	s18 =	sld [smem:$0x3FFB];
	_ =	sdelay $0x3  }
0x92: {  	_ =	strace s18  }
0x93: {  	s3 =	sld [smem:$0x3FFC];
	_ =	sdelay $0x3  }
0x94: {  	_ =	strace s3  }
0x95: {  	s3 =	sld [smem:$0x3FFD];
	_ =	sdelay $0x3  }
0x96: {  	_ =	strace s3  }
0x97: {  	_ =	strace $0x8FFFFFFF  }
0x98: {  	s19 =	sld [smem:$0x3FDB];
	_ =	sdelay $0x1  }
0x99: {  	s4 =	simm.s32 $_scs_section_size  }
0x9a: {  	s5 =	simm.s32 $_size__tile_overlayer_lowered;
	s6 =	simm.s32 $_tile_overlayer_lowered  }
0x9b: {  	s22 =	simm.s32 $0x1BFF;
	s21 =	sshll.u32 s6, $0x1;
	s3 =	sadd.s32 s4, s19  }
0x9c: {  	s7 =	simm.s32 $0x0;
	s20 =	sshll.u32 s5, $0x1;
	s5 =	sadd.s32 s21, s3  }
0x9d: {  	[timem:s7], [sflag:s22] =	dma.local [hbm:s5], s20  }
0x9e: {  	_ =	swait.ge [sflag:s22], s20  }
0x9f: {  	s4 =	ssub.s32 $0x0, s20;
	[sflag:s22] =	ssyncset.done $0x0  }
0xa0: {  	[sflag:s22] =	ssyncadd.s32 s4;
	_ =	sdelay $0x1  }
0xa1: {  	s23 =	simm.s32 $0x1B8B  }
0xa2: {  	_ =	swait.ge [sflag:s23], $0x1  }
0xa3: {  	[sflag:s23] =	ssyncset.done $0x0  }
0xa4: {  	s25 =	simm.s32 $0x1B8E;
	s24 =	sld [smem:$0x3FFE];
	[sflag:s23] =	ssyncadd.s32 $0xFFFFFFFF  }
0xa5: {  	s26 =	simm.s32 $execute0_lowered;
	[smem:$0x3FD2] =	sst s25  }
0xa6: {  	s5 =	sshll.u32 s26, $0x1;
	_ =	strace $0x80000046;
	[dreg:$0x1] =	wrdreg $0xFFFFFFFF  }
0xa7: {  	s28 =	simm.s32 $_size_execute0_lowered;
	s3 =	sadd.s32 s3, s5;
	[dreg:$0x0] =	wrdreg $0x0  }
0xa8: {  	s5 =	sshll.u32 s28, $0x1;
	[dreg:$0x2] =	wrdreg s3  }
0xa9: {  	[dreg:$0x3] =	wrdreg s5  }
0xaa: {  	[dreg:$0x4] =	wrdreg $0xC0  }
0xab: {  	_ =	task [dreg:s7], $0x5FFFF  }
0xac: {  	[dreg:$0x1] =	wrdreg $0xFFFFFFFF  }
0xad: {  	[dreg:$0x0] =	wrdreg $0x60  }
0xae: {  	[dreg:$0x2] =	wrdreg s24  }
0xaf: {  	[dreg:$0x3] =	wrdreg s2  }
0xb0: {  	[dreg:$0x4] =	wrdreg $0x9  }
0xb1: {  	_ =	task.clear_ibuf [dreg:s7], $0x5FFFF;
	_ =	strace $0x90000046  }
0xb2: {  	s29 =	simm.s32 $0x9;
	_ =	strace $0x80000048  }
0xb3: {  	_ =	swait.ge [sflag:s29], $0x1  }
0xb4: {  	[sflag:s29] =	ssyncadd.s32 $0xFFFFFFFF  }
0xb5: {  	_ =	strace $0x90000048  }
0xb6: {  	_ =	sfence  }
0xb7: {  	s30 =	sld [smem:$0x0];
	_ =	sdelay $0x2  }
0xb8: {  	s31 =	sshll.u32 s1, $0xD;
	s1 =	sshrl.u32 s1, $0x2  }
0xb9: {  	s3 =	sand.u32 $0x4000, s31;
	s1 =	sadd.s32 s1, s30  }
0xba: {  	s0 =	sor.u32 s3, s0;
	s1 =	sshll.u32 s1, $0x11  }
0xbb: {  	s0 =	sor.u32 s1, s0  }
0xbc: {  	s0 =	sadd.s32 $0x8F2B, s0  }
0xbd: {  	[sflag:s0] =	ssyncadd.remote.s32 $0x1  }
0xbe: {  	_ =	sfence.sel $0xFFFF  }
0xbf: {  	[dreg:$0x0] =	wrdreg $0xFFFFFFFF;
	(pc) =	sbr.abs _section_cstart, $3  }
0xc0: {  	[dreg:$0x1] =	wrdreg $0xFFFFFFFF  }
0xc1: {  	_ =	task.clear_ibuf [dreg:s7], $0x2FFFF;
	_ =	strace $0x9FFFFFFF  }
0xc2: {  	(tm) =	ssettm $0x7FFFFFFF  }
0xc3: {  	_ =	shalt  }
tec
execute0_lowered:
.L_overlay_start_1:
0x0: {  	(tag) =	ssettag $0x1  }
0x1: {  	s1 =	srdreg.scid;
	s0 =	stileid.u32  }
0x2: {  	s6 =	sand.u32 $0x1, s1;
	s30 =	sshll.u32 s0, $0x1  }
0x3: {  	s5 =	rddreg [dreg:$0x0];
	s8 =	sor.u32 s6, s30  }
0x4: {  	s9 =	rddreg [dreg:$0x1];
	s2 =	simm.s32 $0x0;
	s3 =	smul.u32 $0x90, s8  }
0x5: {  	[smem:$0x7FF] =	sst s2  }
0x6: {  	s1 =	rddreg [dreg:$0x2];
	_ =	strace $0x80000047;
	s3 =	sadd.s32 s3, s5  }
0x7: {  	s10 =	ssub.s32 $0x2, s6;
	s4 =	sadd.s32 $0x200, s3;
	s3 =	simm.s32 $0x2  }
0x8: {  	[tilespmem:s2], [sflag:$0x2] =	stream.linear.gather [hbm4b:s4+s2], $0x480, $0x38;
	[tilespmem:$0x12480] =	vst v63  }
0x9: {  	s7 =	simm.s32 $0x1;
	s11 =	sshrl.u32 s10, $0x1;
	_ =	swait.ge [sflag:s3], $0x480  }
0xa: {  	s6 =	simm.s32 $0x480;
	s10 =	ssub.s32 s10, s11;
	[sflag:s3] =	ssyncset.done $0x0  }
0xb: {  	s5 =	sadd.s32 $0x90200, s5;
	s31 =	smax.u32 s10, $0x1;
	[sflag:s3] =	ssyncadd.s32 $0xFFFFFB80  }
0xc: {  	[tilespmem:s6], [sflag:$0x1] =	stream.indirect.gather [hbm4b:s5+s6], $0x40, s2, s6, $0xb8;
	[tilespmem:$0x12480] =	vst v63  }
0xd: {  	s8 =	smul.u32 $0x2400, s8;
	p0 =	sne.s32 s31, $0x1;
	_ =	swait.ge [sflag:s7], $0x12000  }
.Ltmp0:
0xe: {  	[sflag:s7] =	ssyncset.done $0x0;
	(pc) =	sbr.rel @!p0 .LBB2_2-.Ltmp0, $4  }
0xf: {  	s8 =	sadd.s32 s9, s8;
	[sflag:s7] =	ssyncadd.s32 $0xFFFEE000  }
0x10: {  	[hbm4b:s8+s2] =	stream.linear.scatter [tilespmem:s6], [sflag:$0x2], $0x12000, $0x38;
	[tilespmem:$0x12480] =	vst v63  }
0x11: {  	_ =	swait.ge [sflag:s3], $0x12000  }
0x12: {  	s9 =	sadd.s32 $0xFFFFFFFF, s31;
	[sflag:s3] =	ssyncset.done $0x0  }
.LBB2_1:
0x13: {  	p0 =	sne.s32 s9, $0x1;
	s9 =	sadd.s32 $0xFFFFFFFF, s9;
	[sflag:s3] =	ssyncadd.s32 $0xFFFEE000  }
0x14: {  	[tilespmem:s2], [sflag:$0x2] =	stream.linear.gather [hbm4b:s4+s2], $0x480, $0x38;
	[tilespmem:$0x12480] =	vst v63  }
0x15: {  	_ =	swait.ge [sflag:s3], $0x480  }
0x16: {  	[sflag:s3] =	ssyncset.done $0x0  }
0x17: {  	[sflag:s3] =	ssyncadd.s32 $0xFFFFFB80  }
0x18: {  	[tilespmem:s6], [sflag:$0x1] =	stream.indirect.gather [hbm4b:s5+s6], $0x40, s2, s6, $0xb8;
	[tilespmem:$0x12480] =	vst v63  }
0x19: {  	_ =	swait.ge [sflag:s7], $0x12000  }
.Ltmp1:
0x1a: {  	[sflag:s7] =	ssyncset.done $0x0;
	(pc) =	sbr.rel @p0 .LBB2_1-.Ltmp1, $4  }
0x1b: {  	[sflag:s7] =	ssyncadd.s32 $0xFFFEE000  }
0x1c: {  	[hbm4b:s8+s2] =	stream.linear.scatter [tilespmem:s6], [sflag:$0x2], $0x12000, $0x38;
	[tilespmem:$0x12480] =	vst v63  }
0x1d: {  	_ =	swait.ge [sflag:s3], $0x12000  }
0x1e: {  	[sflag:s3] =	ssyncset.done $0x0  }
.LBB2_2:
0x1f: {  	[sflag:s3] =	ssyncadd.s32 $0xFFFEE000  }
0x20: {  	_ =	sfence.sel $0x180000  }
0x21: {  	[bflag:$0x0] =	sbarrier.arrive $0xFFFF  }
0x22: {  	p0 =	sne.s32 s0, $0x0;
	_ =	strace $0x90000047  }
0x23: {  	s0 =	sadd.s32 @!p0 $0x100000, s1;
	[bflag:$0x2] =	sbarrier.arrive $0xFFFF  }
0x24: {  	[sflag:s0] =	ssyncadd.tile.s32 @!p0 $0x1;
	_ =	shalt  }
.Lfunc_end2:
_tile_overlayer_lowered:
.L_overlay_start_2:
0x25: {  	(tag) =	ssettag $0x2  }
0x26: {  	s0 =	rddreg [dreg:$0x0];
	s2 =	stileid.u32  }
0x27: {  	s1 =	rddreg [dreg:$0x1];
	p0 =	sne.s32 s2, $0x0  }
0x28: {  	s3 =	rddreg [dreg:$0x2];
	[bflag:$0x3] =	sbarrier.arrive $0xFFFF;
	s2 =	simm.s32 @!p0 $0x1C02  }
0x29: {  	[timem:s3], [sflag:s2] =	dma.local @!p0 [hbm:s0], s1  }
0x2a: {  	s0 =	simm.s32 @!p0 $0x2  }
0x2b: {  	_ =	swait.ge @!p0 [sflag:s0], s1  }
0x2c: {  	s1 =	ssub.s32 @!p0 $0x0, s1;
	[sflag:s0] =	ssyncset.done @!p0 $0x0  }
0x2d: {  	[sflag:s0] =	ssyncadd.s32 @!p0 s1  }
0x2e: {  	[bflag:$0x3] =	sbarrier.arrive $0xFFFF  }
0x2f: {  	_ =	shalt  }

</sc_bundles>
